<compile_context>
chip_gen: v7x
topology: tpu7x:2x2x1
jax: 0.10.2.dev20260603
libtpu: 0.0.44.dev20260713+nightly
codegen_flags: <defaults>
</compile_context>

<pallas_src>
import functools

import jax
import jax.numpy as jnp
from jax import lax
from jax.experimental import pallas as pl
from jax.experimental.pallas import tpu as pltpu
from jax.experimental.pallas import tpu_sc as plsc

CB = 8192
D = 12
DP = 16
B = 1024
L = 1024
T = 16
BB = 128
GRID = B // BB
RBV = 2048
CCH = 1024


def _blockdiag(w, g):
    a, b = w.shape
    return (jnp.eye(g, dtype=w.dtype)[:, None, :, None]
            * w[None, :, None, :]).reshape(g * a, g * b)


def _full_spec(a):
    return pl.BlockSpec(a.shape, lambda i, _n=a.ndim: (0,) * _n)



def _enc_body(x_ref, mc1_ref, b1t_ref, mc2_ref, b2t_ref, m3_ref, b3t_ref,
              c_ref):
    f32 = jnp.float32
    dot = lambda a, b: jnp.dot(a, b, preferred_element_type=f32)
    x = x_ref[...]
    h1 = jnp.concatenate(
        [dot(x[:, c * 128:(c + 1) * 128], mc1_ref[...]) for c in range(8)],
        axis=1) + b1t_ref[...]
    h1 = jnp.maximum(h1, 0.0)
    h2 = jnp.concatenate(
        [dot(h1[:, c * 512:(c + 1) * 512], mc2_ref[...]) for c in range(8)],
        axis=1) + b2t_ref[...]
    h2 = jnp.maximum(h2, 0.0)
    c_ref[...] = dot(h2, m3_ref[...]) + b3t_ref[...]


def _enc(xs, *weights):
    return pl.pallas_call(
        _enc_body,
        grid=(GRID,),
        in_specs=[pl.BlockSpec((BB, L), lambda i: (i, 0))]
                 + [_full_spec(w) for w in weights],
        out_specs=pl.BlockSpec((BB, T * D), lambda i: (i, 0)),
        out_shape=jax.ShapeDtypeStruct((B, T * D), jnp.float32),
    )(xs, *weights)



def _hi_tree_ss(v):
    s = v * v
    y = jnp.concatenate([s[:, 0:4] + s[:, 8:12], s[:, 4:8]], axis=1)
    z = y[:, 0:4] + y[:, 4:8]
    w = z[:, 0:2] + z[:, 2:4]
    return w[:, 0:1] + w[:, 1:2]


def _l2n(v):
    n = jnp.sqrt(_hi_tree_ss(v))
    return v / jnp.maximum(n, 1e-12)


def _vq_body(c_ref, wm_ref, bm_ref, wf_ref, bf_ref, cbt2_ref, cb2_ref,
             cont_ref, m_ref, f_ref, idx_ref):
    f32 = jnp.float32
    dot = lambda a, b: jnp.dot(a, b, preferred_element_type=f32)
    cn = _l2n(c_ref[...])
    cont_ref[...] = cn
    m_n = _l2n(dot(cn, wm_ref[...]) + bm_ref[...])
    f_n = _l2n(dot(cn, wf_ref[...]) + bf_ref[...])
    m_ref[...] = m_n
    f_ref[...] = f_n

    sub2 = _hi_tree_ss(m_n)
    best_d = jnp.full((RBV,), jnp.inf, f32)
    best_i = jnp.zeros((RBV,), jnp.int32)
    io = lax.broadcasted_iota(jnp.int32, (RBV, CCH), 1)
    for j in range(CB // CCH):
        cbt2_c = cbt2_ref[:, j * CCH:(j + 1) * CCH]
        s2 = dot(m_n, cbt2_c)
        d2 = (sub2 + cb2_ref[:, j * CCH:(j + 1) * CCH]) - s2
        bmin = jnp.min(d2, axis=1)
        cand = jnp.where(d2 == bmin[:, None], io, jnp.int32(2 ** 30))
        bidx = jnp.min(cand, axis=1) + (j * CCH)
        take = bmin < best_d
        best_d = jnp.where(take, bmin, best_d)
        best_i = jnp.where(take, bidx, best_i)
    idx_ref[...] = best_i


def _vq(c_flat, wmt, bmr, wft, bfr, cbt2, cb2):
    return pl.pallas_call(
        _vq_body,
        grid=(B * T // RBV,),
        in_specs=[pl.BlockSpec((RBV, D), lambda i: (i, 0)),
                  _full_spec(wmt), _full_spec(bmr),
                  _full_spec(wft), _full_spec(bfr),
                  _full_spec(cbt2), _full_spec(cb2)],
        out_specs=[pl.BlockSpec((RBV, D), lambda i: (i, 0))] * 3
                  + [pl.BlockSpec((RBV,), lambda i: (i,))],
        out_shape=[jax.ShapeDtypeStruct((B * T, D), jnp.float32)] * 3
                  + [jax.ShapeDtypeStruct((B * T,), jnp.int32)],
    )(c_flat, wmt, bmr, wft, bfr, cbt2, cb2)



def _sc_gather(table_pad, idx):
    info = plsc.get_sparse_core_info()
    nc, ns = info.num_cores, info.num_subcores
    nw = nc * ns
    n = idx.shape[0]
    bpw = n // nw
    mesh = plsc.VectorSubcoreMesh(core_axis_name="c", subcore_axis_name="s")

    @functools.partial(
        pl.kernel,
        mesh=mesh,
        compiler_params=pltpu.CompilerParams(use_tc_tiling_on_sc=False),
        out_type=jax.ShapeDtypeStruct((n, DP), jnp.float32),
        scratch_types=[
            pltpu.VMEM((bpw,), jnp.int32),
            pltpu.VMEM((bpw, DP), jnp.float32),
            pltpu.SemaphoreType.DMA,
        ],
    )
    def gk(table_hbm, idx_hbm, out_hbm, idx_v, rows_v, sem):
        wid = lax.axis_index("s") * nc + lax.axis_index("c")
        base = wid * bpw
        pltpu.sync_copy(idx_hbm.at[pl.ds(base, bpw)], idx_v)
        pltpu.async_copy(table_hbm.at[idx_v], rows_v, sem).wait()
        pltpu.sync_copy(rows_v, out_hbm.at[pl.ds(base, bpw)])

    return gk(table_pad, idx)



def _dec_body(q_ref, md1_ref, bd1t_ref, mcd2_ref, bd2t_ref, mcd3_ref,
              bd3_ref, out_ref):
    f32 = jnp.float32
    dot = lambda a, b: jnp.dot(a, b, preferred_element_type=f32)
    q = q_ref[...]
    r1 = jnp.maximum(dot(q, md1_ref[...]) + bd1t_ref[...], 0.0)
    r2 = jnp.concatenate(
        [dot(r1[:, c * 256:(c + 1) * 256], mcd2_ref[...]) for c in range(8)],
        axis=1) + bd2t_ref[...]
    r2 = jnp.maximum(r2, 0.0)
    r3 = jnp.concatenate(
        [dot(r2[:, c * 512:(c + 1) * 512], mcd3_ref[...]) for c in range(8)],
        axis=1) + bd3_ref[...]
    out_ref[...] = r3


def _dec(q_wide, *weights):
    return pl.pallas_call(
        _dec_body,
        grid=(GRID,),
        in_specs=[pl.BlockSpec((BB, T * DP), lambda i: (i, 0))]
                 + [_full_spec(w) for w in weights],
        out_specs=pl.BlockSpec((BB, L), lambda i: (i, 0)),
        out_shape=jax.ShapeDtypeStruct((B, L), jnp.float32),
    )(q_wide, *weights)



def kernel(x, W1, b1, W2, b2, W3, b3, Wm, bm, Wf, bf, codebook,
           Wd1, bd1, Wd2, bd2, Wd3, bd3):
    xs = x.reshape(B, L)
    w1r = W1[:, 0, :].T
    w2r = jnp.transpose(W2, (2, 1, 0)).reshape(64, 32)
    w3r = jnp.transpose(W3, (2, 1, 0)).reshape(128, D)
    mc1 = _blockdiag(w1r, 32)
    mc2 = _blockdiag(w2r, 8)
    m3 = _blockdiag(w3r, T)
    b1t = jnp.tile(b1, 256)[None, :]
    b2t = jnp.tile(b2, 64)[None, :]
    b3t = jnp.tile(b3, T)[None, :]
    c_wide = _enc(xs, mc1, b1t, mc2, b2t, m3, b3t)

    cbt2 = codebook.T * 2.0
    cb2 = jnp.sum(codebook * codebook, axis=1)[None, :]
    cont_f, m_f, f_f, idx = _vq(c_wide.reshape(B * T, D),
                                Wm.T, bm[None, :], Wf.T, bf[None, :],
                                cbt2, cb2)

    table = jnp.pad(codebook, ((0, 0), (0, DP - D)))
    qpad = _sc_gather(table, idx)

    wd1r = jnp.pad(jnp.transpose(Wd1, (0, 2, 1)).reshape(D, 128),
                   ((0, DP - D), (0, 0)))
    wd2r = jnp.transpose(Wd2, (0, 2, 1)).reshape(32, 64)
    wd3r = jnp.transpose(Wd3, (0, 2, 1)).reshape(16, 4)
    md1 = _blockdiag(wd1r, T)
    mcd2 = _blockdiag(wd2r, 8)
    mcd3 = _blockdiag(wd3r, 32)
    bd1t = jnp.tile(bd1, 64)[None, :]
    bd2t = jnp.tile(bd2, 256)[None, :]
    recon = _dec(qpad.reshape(B, T * DP), md1, bd1t, mcd2, bd2t, mcd3,
                 bd3[None, :])

    cont = jnp.transpose(cont_f.reshape(B, T, D), (0, 2, 1))
    m = m_f.reshape(B, T, D)
    f = f_f.reshape(B, T, D)
    quant = m + (qpad[:, :D].reshape(B, T, D) - m)
    return recon.reshape(B, 1, L), cont, quant, m, f

# --- scband reference (transcript-rebuilt; emitter-appended) ---
"""Pipeline reference for scband-spherical-conv-codec-78091095375940 (READ-ONLY COPY).

The authoritative reference and input builder live on the scoring server;
editing this copy changes nothing except your own understanding.
"""

import jax, jax.numpy as jnp
import numpy as np

CODEBOOK_SIZE = 8192
LATENT_DIM = 12


def _l2norm(x, axis):
    n = jnp.sqrt(jnp.sum(x * x, axis=axis, keepdims=True))
    return x / jnp.maximum(n, 1e-12)


def _conv1d_s4(x, W, b):
    # Conv1d kernel=4 stride=4 no padding: stride==kernel -> blockwise einsum
    B, C, L = x.shape
    xr = x.reshape(B, C, L // 4, 4)
    return jnp.einsum('bctk,ock->bot', xr, W) + b[None, :, None]


def _convT1d_s4(x, W, b):
    # ConvTranspose1d kernel=4 stride=4: W is [C_in, C_out, 4]
    B, C, T = x.shape
    O = W.shape[1]
    y = jnp.einsum('bct,cok->botk', x, W).reshape(B, O, T * 4)
    return y + b[None, :, None]


def _nearest_codebook_indices(flat, codebook, chunk=4096):
    # chunked euclidean nearest neighbor (argmin over squared distances == argmin over cdist)
    cb2 = jnp.sum(codebook * codebook, axis=1)
    idxs = []
    N = flat.shape[0]
    for s in range(0, N, chunk):
        sub = flat[s:s + chunk]
        d2 = jnp.sum(sub * sub, axis=1)[:, None] + cb2[None, :] - 2.0 * (sub @ codebook.T)
        idxs.append(jnp.argmin(d2, axis=1))
    return jnp.concatenate(idxs, axis=0)


def setup_inputs(seed: int = 0):
    key = jax.random.key(seed)
    ks = jax.random.split(key, 24)
    B, L = 1024, 1024

    def g(i, shape, scale):
        return jax.random.normal(ks[i], shape, dtype=jnp.float32) * scale

    cb = jax.random.normal(ks[20], (CODEBOOK_SIZE, LATENT_DIM), dtype=jnp.float32)
    cb = cb / jnp.maximum(jnp.sqrt(jnp.sum(cb * cb, axis=1, keepdims=True)), 1e-12)
    return {
        'x': jax.random.normal(ks[0], (B, 1, L), dtype=jnp.float32),
        'W1': g(1, (16, 1, 4), 0.5), 'b1': g(2, (16,), 0.1),
        'W2': g(3, (32, 16, 4), 0.12), 'b2': g(4, (32,), 0.1),
        'W3': g(5, (LATENT_DIM, 32, 4), 0.09), 'b3': g(6, (LATENT_DIM,), 0.1),
        'Wm': g(7, (LATENT_DIM, LATENT_DIM), 0.29), 'bm': g(8, (LATENT_DIM,), 0.1),
        'Wf': g(9, (LATENT_DIM, LATENT_DIM), 0.29), 'bf': g(10, (LATENT_DIM,), 0.1),
        'codebook': cb,
        'Wd1': g(11, (LATENT_DIM, 32, 4), 0.14), 'bd1': g(12, (32,), 0.1),
        'Wd2': g(13, (32, 16, 4), 0.09), 'bd2': g(14, (16,), 0.1),
        'Wd3': g(15, (16, 1, 4), 0.12), 'bd3': g(16, (1,), 0.1),
    }


def reference(x, W1, b1, W2, b2, W3, b3, Wm, bm, Wf, bf, codebook, Wd1, bd1, Wd2, bd2, Wd3, bd3):
    # encoder (push)
    h = jax.nn.relu(_conv1d_s4(x, W1, b1))
    h = jax.nn.relu(_conv1d_s4(h, W2, b2))
    cont = _conv1d_s4(h, W3, b3)
    cont = _l2norm(cont, axis=1)
    # split male/female heads
    seq = jnp.transpose(cont, (0, 2, 1))
    B, T, D = seq.shape
    flat = seq.reshape(-1, D)
    m_flat = _l2norm(flat @ Wm.T + bm[None, :], axis=1)
    f_flat = _l2norm(flat @ Wf.T + bf[None, :], axis=1)
    m = m_flat.reshape(B, T, D)
    f = f_flat.reshape(B, T, D)
    # VQ quantization with straight-through estimator
    flat_m = m.reshape(-1, LATENT_DIM)
    idx = _nearest_codebook_indices(flat_m)
    ...
    quant_m = codebook[idx].reshape(-1, 16, LATENT_DIM)
    quant_m_ste = m + jax.lax.stop_gradient(quant_m - m)
    q = jnp.transpose(quant_m_ste, (0, 2, 1))
    # decoder (primes=None so per-sample loop == batched conv_transpose)
    r = jax.nn.relu(_convT1d_s4(q, Wd1, bd1))
    r = jax.nn.relu(_convT1d_s4(r, Wd2, bd2))
    recon = _convT1d_s4(r, Wd3, bd3)
    return recon, cont, quant_m_ste, m, f


# fix: _nearest_codebook_indices needs codebook arg; define a wrapper-safe reference
def _reference_impl(x, W1, b1, W2, b2, W3, b3, Wm, bm, Wf, bf, codebook, Wd1, bd1, Wd2, bd2, Wd3, bd3):
    h = jax.nn.relu(_conv1d_s4(x, W1, b1))
    h = jax.nn.relu(_conv1d_s4(h, W2, b2))
    cont = _conv1d_s4(h, W3, b3)
    cont = _l2norm(cont, axis=1)
    seq = jnp.transpose(cont, (0, 2, 1))
    B, T, D = seq.shape
    flat = seq.reshape(-1, D)
    m_flat = _l2norm(flat @ Wm.T + bm[None, :], axis=1)
    f_flat = _l2norm(flat @ Wf.T + bf[None, :], axis=1)
    m = m_flat.reshape(B, T, D)
    f = f_flat.reshape(B, T, D)
    flat_m = m.reshape(-1, LATENT_DIM)
    idx = _nearest_codebook_indices(flat_m, codebook)
    quant_m = codebook[idx].reshape(-1, 16, LATENT_DIM)
    quant_m_ste = m + jax.lax.stop_gradient(quant_m - m)
    q = jnp.transpose(quant_m_ste, (0, 2, 1))
    r = jax.nn.relu(_convT1d_s4(q, Wd1, bd1))
    r = jax.nn.relu(_convT1d_s4(r, Wd2, bd2))
    recon = _convT1d_s4(r, Wd3, bd3)
    return recon, cont, quant_m_ste, m, f

reference = _reference_impl

if __name__ == "__main__":
    import jax
    _d = setup_inputs()
    print(jax.jit(kernel)(*tuple(_d.values())))

</pallas_src>

<mosaic_0001>
#map = affine_map<(d0, d1) -> (0, 0)>
#map1 = affine_map<(d0, d1) -> (0)>
module attributes {stable_mosaic.version = 14 : i64} {
  func.func @gk(%arg0: i32, %arg1: i32, %arg2: memref<8192x16xf32, #tpu.memory_space<hbm>>, %arg3: memref<16384xi32, #tpu.memory_space<hbm>>, %arg4: memref<16384x16xf32, #tpu.memory_space<hbm>>, %arg5: memref<512xi32, #tpu.memory_space<vmem>>, %arg6: memref<512x16xf32, #tpu.memory_space<vmem>>, %arg7: memref<!tpu.dma_semaphore, #tpu.memory_space<semaphore_mem>>) attributes {dimension_semantics = [#tpu.dimension_semantics<core_parallel>, #tpu.dimension_semantics<subcore_parallel>], iteration_bounds = array<i64: 2, 16>, scalar_prefetch = 0 : i64, scratch_operands = 3 : i64, tpu.core_type = #tpu.core_type<sc_vector_subcore>, window_params = [{transform_indices = #map}, {transform_indices = #map1}, {transform_indices = #map}]} {
    %mul3A = arith.constant 2 : i32
    %mul3A_0 = arith.muli %arg1, %mul3A : i32
    %add3A = arith.addi %mul3A_0, %arg0 : i32
    %mul3A_1 = arith.constant 512 : i32
    %mul3A_2 = arith.muli %add3A, %mul3A_1 : i32
    "tpu.region"() ({
      %run_scoped3A = tpu.sem_alloc : memref<!tpu.dma_semaphore, #tpu.memory_space<semaphore_mem>>
      %dma_start3A_7 = tpu.memref_slice %arg3[%mul3A_2] : memref<16384xi32, #tpu.memory_space<hbm>> -> memref<512xi32, #tpu.memory_space<hbm>>
      %dma_start3A_8 = tpu.memref_slice %arg3[%mul3A_2] : memref<16384xi32, #tpu.memory_space<hbm>> -> memref<512xi32, #tpu.memory_space<hbm>>
      tpu.enqueue_dma source(%dma_start3A_8 : memref<512xi32, #tpu.memory_space<hbm>>) target(%arg5 : memref<512xi32, #tpu.memory_space<vmem>>) target_semaphore(%run_scoped3A : memref<!tpu.dma_semaphore, #tpu.memory_space<semaphore_mem>>)
      %dma_wait3A_9 = tpu.memref_slice %arg3[%mul3A_2] : memref<16384xi32, #tpu.memory_space<hbm>> -> memref<512xi32, #tpu.memory_space<hbm>>
      %dma_wait3A_10 = tpu.memref_slice %arg3[%mul3A_2] : memref<16384xi32, #tpu.memory_space<hbm>> -> memref<512xi32, #tpu.memory_space<hbm>>
      tpu.wait_dma2 semaphore(%run_scoped3A : memref<!tpu.dma_semaphore, #tpu.memory_space<semaphore_mem>>) src(%dma_wait3A_10 : memref<512xi32, #tpu.memory_space<hbm>>) dst(%arg5 : memref<512xi32, #tpu.memory_space<vmem>>)
      tpu.yield
    }) : () -> ()
    %dma_start3A = arith.constant 0 : i32
    %dma_start3A_3 = arith.constant 0 : i32
    %dma_start3A_4 = tpu.memref_slice %arg2[%dma_start3A, %dma_start3A_3] : memref<8192x16xf32, #tpu.memory_space<hbm>> -> memref<8192x16xf32, #tpu.memory_space<hbm>>
    tpu.enqueue_indirect_dma source(%dma_start3A_4 : memref<8192x16xf32, #tpu.memory_space<hbm>>) target(%arg6 : memref<512x16xf32, #tpu.memory_space<vmem>>) offsets(%arg5 : memref<512xi32, #tpu.memory_space<vmem>>) semaphore(%arg7 : memref<!tpu.dma_semaphore, #tpu.memory_space<semaphore_mem>>)
    %dma_wait3A = arith.constant 0 : i32
    %dma_wait3A_5 = arith.constant 0 : i32
    %dma_wait3A_6 = tpu.memref_slice %arg2[%dma_wait3A, %dma_wait3A_5] : memref<8192x16xf32, #tpu.memory_space<hbm>> -> memref<8192x16xf32, #tpu.memory_space<hbm>>
    tpu.wait_indirect_dma semaphore(%arg7 : memref<!tpu.dma_semaphore, #tpu.memory_space<semaphore_mem>>) src(%dma_wait3A_6 : memref<8192x16xf32, #tpu.memory_space<hbm>>) dst(%arg6 : memref<512x16xf32, #tpu.memory_space<vmem>>)
    "tpu.region"() ({
      %run_scoped3A = tpu.sem_alloc : memref<!tpu.dma_semaphore, #tpu.memory_space<semaphore_mem>>
      %dma_start3A_7 = arith.constant 0 : i32
      %dma_start3A_8 = tpu.memref_slice %arg4[%mul3A_2, %dma_start3A_7] : memref<16384x16xf32, #tpu.memory_space<hbm>> -> memref<512x16xf32, #tpu.memory_space<hbm>>
      %dma_start3A_9 = arith.constant 0 : i32
      %dma_start3A_10 = tpu.memref_slice %arg4[%mul3A_2, %dma_start3A_9] : memref<16384x16xf32, #tpu.memory_space<hbm>> -> memref<512x16xf32, #tpu.memory_space<hbm>>
      tpu.enqueue_dma source(%arg6 : memref<512x16xf32, #tpu.memory_space<vmem>>) target(%dma_start3A_10 : memref<512x16xf32, #tpu.memory_space<hbm>>) target_semaphore(%run_scoped3A : memref<!tpu.dma_semaphore, #tpu.memory_space<semaphore_mem>>)
      %dma_wait3A_11 = arith.constant 0 : i32
      %dma_wait3A_12 = tpu.memref_slice %arg4[%mul3A_2, %dma_wait3A_11] : memref<16384x16xf32, #tpu.memory_space<hbm>> -> memref<512x16xf32, #tpu.memory_space<hbm>>
      %dma_wait3A_13 = arith.constant 0 : i32
      %dma_wait3A_14 = tpu.memref_slice %arg4[%mul3A_2, %dma_wait3A_13] : memref<16384x16xf32, #tpu.memory_space<hbm>> -> memref<512x16xf32, #tpu.memory_space<hbm>>
      tpu.wait_dma2 semaphore(%run_scoped3A : memref<!tpu.dma_semaphore, #tpu.memory_space<semaphore_mem>>) src(%arg6 : memref<512x16xf32, #tpu.memory_space<vmem>>) dst(%dma_wait3A_14 : memref<512x16xf32, #tpu.memory_space<hbm>>)
      tpu.yield
    }) : () -> ()
    return
  }
}

module attributes {stable_mosaic.version = 14 : i64} {
  func.func @_enc_body(%arg0: i32, %arg1: memref<128x1024xf32, #tpu.memory_space<vmem>>, %arg2: memref<128x512xf32, #tpu.memory_space<vmem>>, %arg3: memref<1x4096xf32, #tpu.memory_space<vmem>>, %arg4: memref<512x256xf32, #tpu.memory_space<vmem>>, %arg5: memref<1x2048xf32, #tpu.memory_space<vmem>>, %arg6: memref<2048x192xf32, #tpu.memory_space<vmem>>, %arg7: memref<1x192xf32, #tpu.memory_space<vmem>>, %arg8: memref<128x192xf32, #tpu.memory_space<vmem>>) attributes {dimension_semantics = [#tpu.dimension_semantics<arbitrary>], iteration_bounds = array<i64: 8>, scalar_prefetch = 0 : i64, scratch_operands = 0 : i64, tpu.core_type = #tpu.core_type<tc>, window_params = [{transform_indices = @transform_0, window_bounds = array<i64: 128, 1024>}, {pipeline_mode = #tpu.pipeline_mode<synchronous>, transform_indices = @transform_1, window_bounds = array<i64: 128, 512>}, {pipeline_mode = #tpu.pipeline_mode<synchronous>, transform_indices = @transform_2, window_bounds = array<i64: 1, 4096>}, {pipeline_mode = #tpu.pipeline_mode<synchronous>, transform_indices = @transform_3, window_bounds = array<i64: 512, 256>}, {pipeline_mode = #tpu.pipeline_mode<synchronous>, transform_indices = @transform_4, window_bounds = array<i64: 1, 2048>}, {pipeline_mode = #tpu.pipeline_mode<synchronous>, transform_indices = @transform_5, window_bounds = array<i64: 2048, 192>}, {pipeline_mode = #tpu.pipeline_mode<synchronous>, transform_indices = @transform_6, window_bounds = array<i64: 1, 192>}, {transform_indices = @transform_7, window_bounds = array<i64: 128, 192>}]} {
    %get3A = arith.constant 0 : index
    %get3A_0 = arith.constant 0 : index
    %get3A_1 = vector.load %arg1[%get3A, %get3A_0] : memref<128x1024xf32, #tpu.memory_space<vmem>>, vector<128x1024xf32>
    %slice3A = vector.extract_strided_slice %get3A_1 {offsets = [0, 0], sizes = [128, 128], strides = [1, 1]} : vector<128x1024xf32> to vector<128x128xf32>
    %get3A_2 = arith.constant 0 : index
    %get3A_3 = arith.constant 0 : index
    %get3A_4 = vector.load %arg2[%get3A_2, %get3A_3] : memref<128x512xf32, #tpu.memory_space<vmem>>, vector<128x512xf32>
    %dot_general3A = arith.constant dense<0.000000e+00> : vector<128x512xf32>
    %dot_general3A_5 = tpu.matmul %slice3A, %get3A_4, %dot_general3A {dimension_numbers = #tpu.dot_dimension_numbers<[1], [0], [0], [1], [0, 0, 1, 1], [], []>, transpose_lhs_hint = false} : vector<128x128xf32>, vector<128x512xf32>, vector<128x512xf32> -> vector<128x512xf32>
    %slice3A_6 = vector.extract_strided_slice %get3A_1 {offsets = [0, 128], sizes = [128, 128], strides = [1, 1]} : vector<128x1024xf32> to vector<128x128xf32>
    %get3A_7 = arith.constant 0 : index
    %get3A_8 = arith.constant 0 : index
    %get3A_9 = vector.load %arg2[%get3A_7, %get3A_8] : memref<128x512xf32, #tpu.memory_space<vmem>>, vector<128x512xf32>
    %dot_general3A_10 = arith.constant dense<0.000000e+00> : vector<128x512xf32>
    %dot_general3A_11 = tpu.matmul %slice3A_6, %get3A_9, %dot_general3A_10 {dimension_numbers = #tpu.dot_dimension_numbers<[1], [0], [0], [1], [0, 0, 1, 1], [], []>, transpose_lhs_hint = false} : vector<128x128xf32>, vector<128x512xf32>, vector<128x512xf32> -> vector<128x512xf32>
    %slice3A_12 = vector.extract_strided_slice %get3A_1 {offsets = [0, 256], sizes = [128, 128], strides = [1, 1]} : vector<128x1024xf32> to vector<128x128xf32>
    %get3A_13 = arith.constant 0 : index
    %get3A_14 = arith.constant 0 : index
    %get3A_15 = vector.load %arg2[%get3A_13, %get3A_14] : memref<128x512xf32, #tpu.memory_space<vmem>>, vector<128x512xf32>
    %dot_general3A_16 = arith.constant dense<0.000000e+00> : vector<128x512xf32>
    %dot_general3A_17 = tpu.matmul %slice3A_12, %get3A_15, %dot_general3A_16 {dimension_numbers = #tpu.dot_dimension_numbers<[1], [0], [0], [1], [0, 0, 1, 1], [], []>, transpose_lhs_hint = false} : vector<128x128xf32>, vector<128x512xf32>, vector<128x512xf32> -> vector<128x512xf32>
    %slice3A_18 = vector.extract_strided_slice %get3A_1 {offsets = [0, 384], sizes = [128, 128], strides = [1, 1]} : vector<128x1024xf32> to vector<128x128xf32>
    %get3A_19 = arith.constant 0 : index
    %get3A_20 = arith.constant 0 : index
    %get3A_21 = vector.load %arg2[%get3A_19, %get3A_20] : memref<128x512xf32, #tpu.memory_space<vmem>>, vector<128x512xf32>
    %dot_general3A_22 = arith.constant dense<0.000000e+00> : vector<128x512xf32>
    %dot_general3A_23 = tpu.matmul %slice3A_18, %get3A_21, %dot_general3A_22 {dimension_numbers = #tpu.dot_dimension_numbers<[1], [0], [0], [1], [0, 0, 1, 1], [], []>, transpose_lhs_hint = false} : vector<128x128xf32>, vector<128x512xf32>, vector<128x512xf32> -> vector<128x512xf32>
    %slice3A_24 = vector.extract_strided_slice %get3A_1 {offsets = [0, 512], sizes = [128, 128], strides = [1, 1]} : vector<128x1024xf32> to vector<128x128xf32>
    %get3A_25 = arith.constant 0 : index
    %get3A_26 = arith.constant 0 : index
    %get3A_27 = vector.load %arg2[%get3A_25, %get3A_26] : memref<128x512xf32, #tpu.memory_space<vmem>>, vector<128x512xf32>
    %dot_general3A_28 = arith.constant dense<0.000000e+00> : vector<128x512xf32>
    %dot_general3A_29 = tpu.matmul %slice3A_24, %get3A_27, %dot_general3A_28 {dimension_numbers = #tpu.dot_dimension_numbers<[1], [0], [0], [1], [0, 0, 1, 1], [], []>, transpose_lhs_hint = false} : vector<128x128xf32>, vector<128x512xf32>, vector<128x512xf32> -> vector<128x512xf32>
    %slice3A_30 = vector.extract_strided_slice %get3A_1 {offsets = [0, 640], sizes = [128, 128], strides = [1, 1]} : vector<128x1024xf32> to vector<128x128xf32>
    %get3A_31 = arith.constant 0 : index
    %get3A_32 = arith.constant 0 : index
    %get3A_33 = vector.load %arg2[%get3A_31, %get3A_32] : memref<128x512xf32, #tpu.memory_space<vmem>>, vector<128x512xf32>
    %dot_general3A_34 = arith.constant dense<0.000000e+00> : vector<128x512xf32>
    %dot_general3A_35 = tpu.matmul %slice3A_30, %get3A_33, %dot_general3A_34 {dimension_numbers = #tpu.dot_dimension_numbers<[1], [0], [0], [1], [0, 0, 1, 1], [], []>, transpose_lhs_hint = false} : vector<128x128xf32>, vector<128x512xf32>, vector<128x512xf32> -> vector<128x512xf32>
    %slice3A_36 = vector.extract_strided_slice %get3A_1 {offsets = [0, 768], sizes = [128, 128], strides = [1, 1]} : vector<128x1024xf32> to vector<128x128xf32>
    %get3A_37 = arith.constant 0 : index
    %get3A_38 = arith.constant 0 : index
    %get3A_39 = vector.load %arg2[%get3A_37, %get3A_38] : memref<128x512xf32, #tpu.memory_space<vmem>>, vector<128x512xf32>
    %dot_general3A_40 = arith.constant dense<0.000000e+00> : vector<128x512xf32>
    %dot_general3A_41 = tpu.matmul %slice3A_36, %get3A_39, %dot_general3A_40 {dimension_numbers = #tpu.dot_dimension_numbers<[1], [0], [0], [1], [0, 0, 1, 1], [], []>, transpose_lhs_hint = false} : vector<128x128xf32>, vector<128x512xf32>, vector<128x512xf32> -> vector<128x512xf32>
    %slice3A_42 = vector.extract_strided_slice %get3A_1 {offsets = [0, 896], sizes = [128, 128], strides = [1, 1]} : vector<128x1024xf32> to vector<128x128xf32>
    %get3A_43 = arith.constant 0 : index
    %get3A_44 = arith.constant 0 : index
    %get3A_45 = vector.load %arg2[%get3A_43, %get3A_44] : memref<128x512xf32, #tpu.memory_space<vmem>>, vector<128x512xf32>
    %dot_general3A_46 = arith.constant dense<0.000000e+00> : vector<128x512xf32>
    %dot_general3A_47 = tpu.matmul %slice3A_42, %get3A_45, %dot_general3A_46 {dimension_numbers = #tpu.dot_dimension_numbers<[1], [0], [0], [1], [0, 0, 1, 1], [], []>, transpose_lhs_hint = false} : vector<128x128xf32>, vector<128x512xf32>, vector<128x512xf32> -> vector<128x512xf32>
    %concatenate3A = tpu.concatenate %dot_general3A_5, %dot_general3A_11, %dot_general3A_17, %dot_general3A_23, %dot_general3A_29, %dot_general3A_35, %dot_general3A_41, %dot_general3A_47 in 1 : vector<128x512xf32>, vector<128x512xf32>, vector<128x512xf32>, vector<128x512xf32>, vector<128x512xf32>, vector<128x512xf32>, vector<128x512xf32>, vector<128x512xf32> -> vector<128x4096xf32>
    %get3A_48 = arith.constant 0 : index
    %get3A_49 = arith.constant 0 : index
    %get3A_50 = vector.load %arg3[%get3A_48, %get3A_49] : memref<1x4096xf32, #tpu.memory_space<vmem>>, vector<1x4096xf32>
    %add3A = vector.broadcast %get3A_50 : vector<1x4096xf32> to vector<128x4096xf32>
    %add3A_51 = arith.addf %concatenate3A, %add3A : vector<128x4096xf32>
    %max3A = arith.constant 0.000000e+00 : f32
    %max3A_52 = vector.broadcast %max3A : f32 to vector<128x4096xf32>
    %max3A_53 = arith.maximumf %add3A_51, %max3A_52 : vector<128x4096xf32>
    %slice3A_54 = vector.extract_strided_slice %max3A_53 {offsets = [0, 0], sizes = [128, 512], strides = [1, 1]} : vector<128x4096xf32> to vector<128x512xf32>
    %get3A_55 = arith.constant 0 : index
    %get3A_56 = arith.constant 0 : index
    %get3A_57 = vector.load %arg4[%get3A_55, %get3A_56] : memref<512x256xf32, #tpu.memory_space<vmem>>, vector<512x256xf32>
    %dot_general3A_58 = arith.constant dense<0.000000e+00> : vector<128x256xf32>
    %dot_general3A_59 = tpu.matmul %slice3A_54, %get3A_57, %dot_general3A_58 {dimension_numbers = #tpu.dot_dimension_numbers<[1], [0], [0], [1], [0, 0, 1, 1], [], []>, transpose_lhs_hint = false} : vector<128x512xf32>, vector<512x256xf32>, vector<128x256xf32> -> vector<128x256xf32>
    %slice3A_60 = vector.extract_strided_slice %max3A_53 {offsets = [0, 512], sizes = [128, 512], strides = [1, 1]} : vector<128x4096xf32> to vector<128x512xf32>
    %get3A_61 = arith.constant 0 : index
    %get3A_62 = arith.constant 0 : index
    %get3A_63 = vector.load %arg4[%get3A_61, %get3A_62] : memref<512x256xf32, #tpu.memory_space<vmem>>, vector<512x256xf32>
    %dot_general3A_64 = arith.constant dense<0.000000e+00> : vector<128x256xf32>
    %dot_general3A_65 = tpu.matmul %slice3A_60, %get3A_63, %dot_general3A_64 {dimension_numbers = #tpu.dot_dimension_numbers<[1], [0], [0], [1], [0, 0, 1, 1], [], []>, transpose_lhs_hint = false} : vector<128x512xf32>, vector<512x256xf32>, vector<128x256xf32> -> vector<128x256xf32>
    %slice3A_66 = vector.extract_strided_slice %max3A_53 {offsets = [0, 1024], sizes = [128, 512], strides = [1, 1]} : vector<128x4096xf32> to vector<128x512xf32>
    %get3A_67 = arith.constant 0 : index
    %get3A_68 = arith.constant 0 : index
    %get3A_69 = vector.load %arg4[%get3A_67, %get3A_68] : memref<512x256xf32, #tpu.memory_space<vmem>>, vector<512x256xf32>
    %dot_general3A_70 = arith.constant dense<0.000000e+00> : vector<128x256xf32>
    %dot_general3A_71 = tpu.matmul %slice3A_66, %get3A_69, %dot_general3A_70 {dimension_numbers = #tpu.dot_dimension_numbers<[1], [0], [0], [1], [0, 0, 1, 1], [], []>, transpose_lhs_hint = false} : vector<128x512xf32>, vector<512x256xf32>, vector<128x256xf32> -> vector<128x256xf32>
    %slice3A_72 = vector.extract_strided_slice %max3A_53 {offsets = [0, 1536], sizes = [128, 512], strides = [1, 1]} : vector<128x4096xf32> to vector<128x512xf32>
    %get3A_73 = arith.constant 0 : index
    %get3A_74 = arith.constant 0 : index
    %get3A_75 = vector.load %arg4[%get3A_73, %get3A_74] : memref<512x256xf32, #tpu.memory_space<vmem>>, vector<512x256xf32>
    %dot_general3A_76 = arith.constant dense<0.000000e+00> : vector<128x256xf32>
    %dot_general3A_77 = tpu.matmul %slice3A_72, %get3A_75, %dot_general3A_76 {dimension_numbers = #tpu.dot_dimension_numbers<[1], [0], [0], [1], [0, 0, 1, 1], [], []>, transpose_lhs_hint = false} : vector<128x512xf32>, vector<512x256xf32>, vector<128x256xf32> -> vector<128x256xf32>
    %slice3A_78 = vector.extract_strided_slice %max3A_53 {offsets = [0, 2048], sizes = [128, 512], strides = [1, 1]} : vector<128x4096xf32> to vector<128x512xf32>
    %get3A_79 = arith.constant 0 : index
    %get3A_80 = arith.constant 0 : index
    %get3A_81 = vector.load %arg4[%get3A_79, %get3A_80] : memref<512x256xf32, #tpu.memory_space<vmem>>, vector<512x256xf32>
    %dot_general3A_82 = arith.constant dense<0.000000e+00> : vector<128x256xf32>
    %dot_general3A_83 = tpu.matmul %slice3A_78, %get3A_81, %dot_general3A_82 {dimension_numbers = #tpu.dot_dimension_numbers<[1], [0], [0], [1], [0, 0, 1, 1], [], []>, transpose_lhs_hint = false} : vector<128x512xf32>, vector<512x256xf32>, vector<128x256xf32> -> vector<128x256xf32>
    %slice3A_84 = vector.extract_strided_slice %max3A_53 {offsets = [0, 2560], sizes = [128, 512], strides = [1, 1]} : vector<128x4096xf32> to vector<128x512xf32>
    %get3A_85 = arith.constant 0 : index
    %get3A_86 = arith.constant 0 : index
    %get3A_87 = vector.load %arg4[%get3A_85, %get3A_86] : memref<512x256xf32, #tpu.memory_space<vmem>>, vector<512x256xf32>
    %dot_general3A_88 = arith.constant dense<0.000000e+00> : vector<128x256xf32>
    %dot_general3A_89 = tpu.matmul %slice3A_84, %get3A_87, %dot_general3A_88 {dimension_numbers = #tpu.dot_dimension_numbers<[1], [0], [0], [1], [0, 0, 1, 1], [], []>, transpose_lhs_hint = false} : vector<128x512xf32>, vector<512x256xf32>, vector<128x256xf32> -> vector<128x256xf32>
    %slice3A_90 = vector.extract_strided_slice %max3A_53 {offsets = [0, 3072], sizes = [128, 512], strides = [1, 1]} : vector<128x4096xf32> to vector<128x512xf32>
    %get3A_91 = arith.constant 0 : index
    %get3A_92 = arith.constant 0 : index
    %get3A_93 = vector.load %arg4[%get3A_91, %get3A_92] : memref<512x256xf32, #tpu.memory_space<vmem>>, vector<512x256xf32>
    %dot_general3A_94 = arith.constant dense<0.000000e+00> : vector<128x256xf32>
    %dot_general3A_95 = tpu.matmul %slice3A_90, %get3A_93, %dot_general3A_94 {dimension_numbers = #tpu.dot_dimension_numbers<[1], [0], [0], [1], [0, 0, 1, 1], [], []>, transpose_lhs_hint = false} : vector<128x512xf32>, vector<512x256xf32>, vector<128x256xf32> -> vector<128x256xf32>
    %slice3A_96 = vector.extract_strided_slice %max3A_53 {offsets = [0, 3584], sizes = [128, 512], strides = [1, 1]} : vector<128x4096xf32> to vector<128x512xf32>
    %get3A_97 = arith.constant 0 : index
    %get3A_98 = arith.constant 0 : index
    %get3A_99 = vector.load %arg4[%get3A_97, %get3A_98] : memref<512x256xf32, #tpu.memory_space<vmem>>, vector<512x256xf32>
    %dot_general3A_100 = arith.constant dense<0.000000e+00> : vector<128x256xf32>
    %dot_general3A_101 = tpu.matmul %slice3A_96, %get3A_99, %dot_general3A_100 {dimension_numbers = #tpu.dot_dimension_numbers<[1], [0], [0], [1], [0, 0, 1, 1], [], []>, transpose_lhs_hint = false} : vector<128x512xf32>, vector<512x256xf32>, vector<128x256xf32> -> vector<128x256xf32>
    %concatenate3A_102 = tpu.concatenate %dot_general3A_59, %dot_general3A_65, %dot_general3A_71, %dot_general3A_77, %dot_general3A_83, %dot_general3A_89, %dot_general3A_95, %dot_general3A_101 in 1 : vector<128x256xf32>, vector<128x256xf32>, vector<128x256xf32>, vector<128x256xf32>, vector<128x256xf32>, vector<128x256xf32>, vector<128x256xf32>, vector<128x256xf32> -> vector<128x2048xf32>
    %get3A_103 = arith.constant 0 : index
    %get3A_104 = arith.constant 0 : index
    %get3A_105 = vector.load %arg5[%get3A_103, %get3A_104] : memref<1x2048xf32, #tpu.memory_space<vmem>>, vector<1x2048xf32>
    %add3A_106 = vector.broadcast %get3A_105 : vector<1x2048xf32> to vector<128x2048xf32>
    %add3A_107 = arith.addf %concatenate3A_102, %add3A_106 : vector<128x2048xf32>
    %max3A_108 = arith.constant 0.000000e+00 : f32
    %max3A_109 = vector.broadcast %max3A_108 : f32 to vector<128x2048xf32>
    %max3A_110 = arith.maximumf %add3A_107, %max3A_109 : vector<128x2048xf32>
    %get3A_111 = arith.constant 0 : index
    %get3A_112 = arith.constant 0 : index
    %get3A_113 = vector.load %arg6[%get3A_111, %get3A_112] : memref<2048x192xf32, #tpu.memory_space<vmem>>, vector<2048x192xf32>
    %dot_general3A_114 = arith.constant dense<0.000000e+00> : vector<128x192xf32>
    %dot_general3A_115 = tpu.matmul %max3A_110, %get3A_113, %dot_general3A_114 {dimension_numbers = #tpu.dot_dimension_numbers<[1], [0], [0], [1], [0, 0, 1, 1], [], []>, transpose_lhs_hint = false} : vector<128x2048xf32>, vector<2048x192xf32>, vector<128x192xf32> -> vector<128x192xf32>
    %get3A_116 = arith.constant 0 : index
    %get3A_117 = arith.constant 0 : index
    %get3A_118 = vector.load %arg7[%get3A_116, %get3A_117] : memref<1x192xf32, #tpu.memory_space<vmem>>, vector<1x192xf32>
    %add3A_119 = vector.broadcast %get3A_118 : vector<1x192xf32> to vector<128x192xf32>
    %add3A_120 = arith.addf %dot_general3A_115, %add3A_119 : vector<128x192xf32>
    %swap3A = arith.constant 0 : index
    %swap3A_121 = arith.constant 0 : index
    %swap3A_122 = vector.load %arg8[%swap3A, %swap3A_121] : memref<128x192xf32, #tpu.memory_space<vmem>>, vector<128x192xf32>
    tpu.vector_store %arg8[%swap3A, %swap3A_121], %add3A_120 {strides = array<i32>} : memref<128x192xf32, #tpu.memory_space<vmem>>, vector<128x192xf32>,
    return
  }
  func.func @transform_0(%arg0: i32) -> (i32, i32) {
    %c0_i32 = arith.constant 0 : i32
    %c0_i32_0 = arith.constant 0 : i32
    return %arg0, %c0_i32 : i32, i32
  }
  func.func @transform_1(%arg0: i32) -> (i32, i32) {
    %c0_i32 = arith.constant 0 : i32
    %c0_i32_0 = arith.constant 0 : i32
    %c0_i32_1 = arith.constant 0 : i32
    return %c0_i32, %c0_i32_0 : i32, i32
  }
  func.func @transform_2(%arg0: i32) -> (i32, i32) {
    %c0_i32 = arith.constant 0 : i32
    %c0_i32_0 = arith.constant 0 : i32
    %c0_i32_1 = arith.constant 0 : i32
    return %c0_i32, %c0_i32_0 : i32, i32
  }
  func.func @transform_3(%arg0: i32) -> (i32, i32) {
    %c0_i32 = arith.constant 0 : i32
    %c0_i32_0 = arith.constant 0 : i32
    %c0_i32_1 = arith.constant 0 : i32
    return %c0_i32, %c0_i32_0 : i32, i32
  }
  func.func @transform_4(%arg0: i32) -> (i32, i32) {
    %c0_i32 = arith.constant 0 : i32
    %c0_i32_0 = arith.constant 0 : i32
    %c0_i32_1 = arith.constant 0 : i32
    return %c0_i32, %c0_i32_0 : i32, i32
  }
  func.func @transform_5(%arg0: i32) -> (i32, i32) {
    %c0_i32 = arith.constant 0 : i32
    %c0_i32_0 = arith.constant 0 : i32
    %c0_i32_1 = arith.constant 0 : i32
    return %c0_i32, %c0_i32_0 : i32, i32
  }
  func.func @transform_6(%arg0: i32) -> (i32, i32) {
    %c0_i32 = arith.constant 0 : i32
    %c0_i32_0 = arith.constant 0 : i32
    %c0_i32_1 = arith.constant 0 : i32
    return %c0_i32, %c0_i32_0 : i32, i32
  }
  func.func @transform_7(%arg0: i32) -> (i32, i32) {
    %c0_i32 = arith.constant 0 : i32
    %c0_i32_0 = arith.constant 0 : i32
    return %arg0, %c0_i32 : i32, i32
  }
}

module attributes {stable_mosaic.version = 14 : i64} {
  func.func @_vq_body(%arg0: i32, %arg1: memref<2048x12xf32, #tpu.memory_space<vmem>>, %arg2: memref<12x12xf32, #tpu.memory_space<vmem>>, %arg3: memref<1x12xf32, #tpu.memory_space<vmem>>, %arg4: memref<12x12xf32, #tpu.memory_space<vmem>>, %arg5: memref<1x12xf32, #tpu.memory_space<vmem>>, %arg6: memref<12x8192xf32, #tpu.memory_space<vmem>>, %arg7: memref<1x8192xf32, #tpu.memory_space<vmem>>, %arg8: memref<2048x12xf32, #tpu.memory_space<vmem>>, %arg9: memref<2048x12xf32, #tpu.memory_space<vmem>>, %arg10: memref<2048x12xf32, #tpu.memory_space<vmem>>, %arg11: memref<2048xi32, #tpu.memory_space<vmem>>) attributes {dimension_semantics = [#tpu.dimension_semantics<arbitrary>], iteration_bounds = array<i64: 8>, scalar_prefetch = 0 : i64, scratch_operands = 0 : i64, tpu.core_type = #tpu.core_type<tc>, window_params = [{transform_indices = @transform_0, window_bounds = array<i64: 2048, 12>}, {pipeline_mode = #tpu.pipeline_mode<synchronous>, transform_indices = @transform_1, window_bounds = array<i64: 12, 12>}, {pipeline_mode = #tpu.pipeline_mode<synchronous>, transform_indices = @transform_2, window_bounds = array<i64: 1, 12>}, {pipeline_mode = #tpu.pipeline_mode<synchronous>, transform_indices = @transform_3, window_bounds = array<i64: 12, 12>}, {pipeline_mode = #tpu.pipeline_mode<synchronous>, transform_indices = @transform_4, window_bounds = array<i64: 1, 12>}, {pipeline_mode = #tpu.pipeline_mode<synchronous>, transform_indices = @transform_5, window_bounds = array<i64: 12, 8192>}, {pipeline_mode = #tpu.pipeline_mode<synchronous>, transform_indices = @transform_6, window_bounds = array<i64: 1, 8192>}, {transform_indices = @transform_7, window_bounds = array<i64: 2048, 12>}, {transform_indices = @transform_8, window_bounds = array<i64: 2048, 12>}, {transform_indices = @transform_9, window_bounds = array<i64: 2048, 12>}, {transform_indices = @transform_10, window_bounds = array<i64: 2048>}]} {
    %get3A = arith.constant 0 : index
    %get3A_0 = arith.constant 0 : index
    %get3A_1 = vector.load %arg1[%get3A, %get3A_0] : memref<2048x12xf32, #tpu.memory_space<vmem>>, vector<2048x12xf32>
    %mul3A = arith.mulf %get3A_1, %get3A_1 : vector<2048x12xf32>
    %slice3A = vector.extract_strided_slice %mul3A {offsets = [0, 0], sizes = [2048, 4], strides = [1, 1]} : vector<2048x12xf32> to vector<2048x4xf32>
    %slice3A_2 = vector.extract_strided_slice %mul3A {offsets = [0, 8], sizes = [2048, 4], strides = [1, 1]} : vector<2048x12xf32> to vector<2048x4xf32>
    %add3A = arith.addf %slice3A, %slice3A_2 : vector<2048x4xf32>
    %slice3A_3 = vector.extract_strided_slice %mul3A {offsets = [0, 4], sizes = [2048, 4], strides = [1, 1]} : vector<2048x12xf32> to vector<2048x4xf32>
    %concatenate3A = tpu.concatenate %add3A, %slice3A_3 in 1 : vector<2048x4xf32>, vector<2048x4xf32> -> vector<2048x8xf32>
    %slice3A_4 = vector.extract_strided_slice %concatenate3A {offsets = [0, 0], sizes = [2048, 4], strides = [1, 1]} : vector<2048x8xf32> to vector<2048x4xf32>
    %slice3A_5 = vector.extract_strided_slice %concatenate3A {offsets = [0, 4], sizes = [2048, 4], strides = [1, 1]} : vector<2048x8xf32> to vector<2048x4xf32>
    %add3A_6 = arith.addf %slice3A_4, %slice3A_5 : vector<2048x4xf32>
    %slice3A_7 = vector.extract_strided_slice %add3A_6 {offsets = [0, 0], sizes = [2048, 2], strides = [1, 1]} : vector<2048x4xf32> to vector<2048x2xf32>
    %slice3A_8 = vector.extract_strided_slice %add3A_6 {offsets = [0, 2], sizes = [2048, 2], strides = [1, 1]} : vector<2048x4xf32> to vector<2048x2xf32>
    %add3A_9 = arith.addf %slice3A_7, %slice3A_8 : vector<2048x2xf32>
    %slice3A_10 = vector.extract_strided_slice %add3A_9 {offsets = [0, 0], sizes = [2048, 1], strides = [1, 1]} : vector<2048x2xf32> to vector<2048x1xf32>
    %slice3A_11 = vector.extract_strided_slice %add3A_9 {offsets = [0, 1], sizes = [2048, 1], strides = [1, 1]} : vector<2048x2xf32> to vector<2048x1xf32>
    %add3A_12 = arith.addf %slice3A_10, %slice3A_11 : vector<2048x1xf32>
    %sqrt3A = math.sqrt %add3A_12 : vector<2048x1xf32>
    %max3A = arith.constant 9.99999996E-13 : f32
    %max3A_13 = vector.broadcast %max3A : f32 to vector<2048x1xf32>
    %max3A_14 = arith.maximumf %sqrt3A, %max3A_13 : vector<2048x1xf32>
    %div3A = vector.broadcast %max3A_14 : vector<2048x1xf32> to vector<2048x12xf32>
    %div3A_15 = arith.divf %get3A_1, %div3A : vector<2048x12xf32>
    %swap3A = arith.constant 0 : index
    %swap3A_16 = arith.constant 0 : index
    %swap3A_17 = vector.load %arg8[%swap3A, %swap3A_16] : memref<2048x12xf32, #tpu.memory_space<vmem>>, vector<2048x12xf32>
    tpu.vector_store %arg8[%swap3A, %swap3A_16], %div3A_15 {strides = array<i32>} : memref<2048x12xf32, #tpu.memory_space<vmem>>, vector<2048x12xf32>,
    %get3A_18 = arith.constant 0 : index
    %get3A_19 = arith.constant 0 : index
    %get3A_20 = vector.load %arg2[%get3A_18, %get3A_19] : memref<12x12xf32, #tpu.memory_space<vmem>>, vector<12x12xf32>
    %dot_general3A = arith.constant dense<0.000000e+00> : vector<2048x12xf32>
    %dot_general3A_21 = tpu.matmul %div3A_15, %get3A_20, %dot_general3A {dimension_numbers = #tpu.dot_dimension_numbers<[1], [0], [0], [1], [0, 0, 1, 1], [], []>, transpose_lhs_hint = false} : vector<2048x12xf32>, vector<12x12xf32>, vector<2048x12xf32> -> vector<2048x12xf32>
    %get3A_22 = arith.constant 0 : index
    %get3A_23 = arith.constant 0 : index
    %get3A_24 = vector.load %arg3[%get3A_22, %get3A_23] : memref<1x12xf32, #tpu.memory_space<vmem>>, vector<1x12xf32>
    %add3A_25 = vector.broadcast %get3A_24 : vector<1x12xf32> to vector<2048x12xf32>
    %add3A_26 = arith.addf %dot_general3A_21, %add3A_25 : vector<2048x12xf32>
    %mul3A_27 = arith.mulf %add3A_26, %add3A_26 : vector<2048x12xf32>
    %slice3A_28 = vector.extract_strided_slice %mul3A_27 {offsets = [0, 0], sizes = [2048, 4], strides = [1, 1]} : vector<2048x12xf32> to vector<2048x4xf32>
    %slice3A_29 = vector.extract_strided_slice %mul3A_27 {offsets = [0, 8], sizes = [2048, 4], strides = [1, 1]} : vector<2048x12xf32> to vector<2048x4xf32>
    %add3A_30 = arith.addf %slice3A_28, %slice3A_29 : vector<2048x4xf32>
    %slice3A_31 = vector.extract_strided_slice %mul3A_27 {offsets = [0, 4], sizes = [2048, 4], strides = [1, 1]} : vector<2048x12xf32> to vector<2048x4xf32>
    %concatenate3A_32 = tpu.concatenate %add3A_30, %slice3A_31 in 1 : vector<2048x4xf32>, vector<2048x4xf32> -> vector<2048x8xf32>
    %slice3A_33 = vector.extract_strided_slice %concatenate3A_32 {offsets = [0, 0], sizes = [2048, 4], strides = [1, 1]} : vector<2048x8xf32> to vector<2048x4xf32>
    %slice3A_34 = vector.extract_strided_slice %concatenate3A_32 {offsets = [0, 4], sizes = [2048, 4], strides = [1, 1]} : vector<2048x8xf32> to vector<2048x4xf32>
    %add3A_35 = arith.addf %slice3A_33, %slice3A_34 : vector<2048x4xf32>
    %slice3A_36 = vector.extract_strided_slice %add3A_35 {offsets = [0, 0], sizes = [2048, 2], strides = [1, 1]} : vector<2048x4xf32> to vector<2048x2xf32>
    %slice3A_37 = vector.extract_strided_slice %add3A_35 {offsets = [0, 2], sizes = [2048, 2], strides = [1, 1]} : vector<2048x4xf32> to vector<2048x2xf32>
    %add3A_38 = arith.addf %slice3A_36, %slice3A_37 : vector<2048x2xf32>
    %slice3A_39 = vector.extract_strided_slice %add3A_38 {offsets = [0, 0], sizes = [2048, 1], strides = [1, 1]} : vector<2048x2xf32> to vector<2048x1xf32>
    %slice3A_40 = vector.extract_strided_slice %add3A_38 {offsets = [0, 1], sizes = [2048, 1], strides = [1, 1]} : vector<2048x2xf32> to vector<2048x1xf32>
    %add3A_41 = arith.addf %slice3A_39, %slice3A_40 : vector<2048x1xf32>
    %sqrt3A_42 = math.sqrt %add3A_41 : vector<2048x1xf32>
    %max3A_43 = arith.constant 9.99999996E-13 : f32
    %max3A_44 = vector.broadcast %max3A_43 : f32 to vector<2048x1xf32>
    %max3A_45 = arith.maximumf %sqrt3A_42, %max3A_44 : vector<2048x1xf32>
    %div3A_46 = vector.broadcast %max3A_45 : vector<2048x1xf32> to vector<2048x12xf32>
    %div3A_47 = arith.divf %add3A_26, %div3A_46 : vector<2048x12xf32>
    %get3A_48 = arith.constant 0 : index
    %get3A_49 = arith.constant 0 : index
    %get3A_50 = vector.load %arg4[%get3A_48, %get3A_49] : memref<12x12xf32, #tpu.memory_space<vmem>>, vector<12x12xf32>
    %dot_general3A_51 = arith.constant dense<0.000000e+00> : vector<2048x12xf32>
    %dot_general3A_52 = tpu.matmul %div3A_15, %get3A_50, %dot_general3A_51 {dimension_numbers = #tpu.dot_dimension_numbers<[1], [0], [0], [1], [0, 0, 1, 1], [], []>, transpose_lhs_hint = false} : vector<2048x12xf32>, vector<12x12xf32>, vector<2048x12xf32> -> vector<2048x12xf32>
    %get3A_53 = arith.constant 0 : index
    %get3A_54 = arith.constant 0 : index
    %get3A_55 = vector.load %arg5[%get3A_53, %get3A_54] : memref<1x12xf32, #tpu.memory_space<vmem>>, vector<1x12xf32>
    %add3A_56 = vector.broadcast %get3A_55 : vector<1x12xf32> to vector<2048x12xf32>
    %add3A_57 = arith.addf %dot_general3A_52, %add3A_56 : vector<2048x12xf32>
    %mul3A_58 = arith.mulf %add3A_57, %add3A_57 : vector<2048x12xf32>
    %slice3A_59 = vector.extract_strided_slice %mul3A_58 {offsets = [0, 0], sizes = [2048, 4], strides = [1, 1]} : vector<2048x12xf32> to vector<2048x4xf32>
    %slice3A_60 = vector.extract_strided_slice %mul3A_58 {offsets = [0, 8], sizes = [2048, 4], strides = [1, 1]} : vector<2048x12xf32> to vector<2048x4xf32>
    %add3A_61 = arith.addf %slice3A_59, %slice3A_60 : vector<2048x4xf32>
    %slice3A_62 = vector.extract_strided_slice %mul3A_58 {offsets = [0, 4], sizes = [2048, 4], strides = [1, 1]} : vector<2048x12xf32> to vector<2048x4xf32>
    %concatenate3A_63 = tpu.concatenate %add3A_61, %slice3A_62 in 1 : vector<2048x4xf32>, vector<2048x4xf32> -> vector<2048x8xf32>
    %slice3A_64 = vector.extract_strided_slice %concatenate3A_63 {offsets = [0, 0], sizes = [2048, 4], strides = [1, 1]} : vector<2048x8xf32> to vector<2048x4xf32>
    %slice3A_65 = vector.extract_strided_slice %concatenate3A_63 {offsets = [0, 4], sizes = [2048, 4], strides = [1, 1]} : vector<2048x8xf32> to vector<2048x4xf32>
    %add3A_66 = arith.addf %slice3A_64, %slice3A_65 : vector<2048x4xf32>
    %slice3A_67 = vector.extract_strided_slice %add3A_66 {offsets = [0, 0], sizes = [2048, 2], strides = [1, 1]} : vector<2048x4xf32> to vector<2048x2xf32>
    %slice3A_68 = vector.extract_strided_slice %add3A_66 {offsets = [0, 2], sizes = [2048, 2], strides = [1, 1]} : vector<2048x4xf32> to vector<2048x2xf32>
    %add3A_69 = arith.addf %slice3A_67, %slice3A_68 : vector<2048x2xf32>
    %slice3A_70 = vector.extract_strided_slice %add3A_69 {offsets = [0, 0], sizes = [2048, 1], strides = [1, 1]} : vector<2048x2xf32> to vector<2048x1xf32>
    %slice3A_71 = vector.extract_strided_slice %add3A_69 {offsets = [0, 1], sizes = [2048, 1], strides = [1, 1]} : vector<2048x2xf32> to vector<2048x1xf32>
    %add3A_72 = arith.addf %slice3A_70, %slice3A_71 : vector<2048x1xf32>
    %sqrt3A_73 = math.sqrt %add3A_72 : vector<2048x1xf32>
    %max3A_74 = arith.constant 9.99999996E-13 : f32
    %max3A_75 = vector.broadcast %max3A_74 : f32 to vector<2048x1xf32>
    %max3A_76 = arith.maximumf %sqrt3A_73, %max3A_75 : vector<2048x1xf32>
    %div3A_77 = vector.broadcast %max3A_76 : vector<2048x1xf32> to vector<2048x12xf32>
    %div3A_78 = arith.divf %add3A_57, %div3A_77 : vector<2048x12xf32>
    %swap3A_79 = arith.constant 0 : index
    %swap3A_80 = arith.constant 0 : index
    %swap3A_81 = vector.load %arg9[%swap3A_79, %swap3A_80] : memref<2048x12xf32, #tpu.memory_space<vmem>>, vector<2048x12xf32>
    tpu.vector_store %arg9[%swap3A_79, %swap3A_80], %div3A_47 {strides = array<i32>} : memref<2048x12xf32, #tpu.memory_space<vmem>>, vector<2048x12xf32>,
    %swap3A_82 = arith.constant 0 : index
    %swap3A_83 = arith.constant 0 : index
    %swap3A_84 = vector.load %arg10[%swap3A_82, %swap3A_83] : memref<2048x12xf32, #tpu.memory_space<vmem>>, vector<2048x12xf32>
    tpu.vector_store %arg10[%swap3A_82, %swap3A_83], %div3A_78 {strides = array<i32>} : memref<2048x12xf32, #tpu.memory_space<vmem>>, vector<2048x12xf32>,
    %mul3A_85 = arith.mulf %div3A_47, %div3A_47 : vector<2048x12xf32>
    %slice3A_86 = vector.extract_strided_slice %mul3A_85 {offsets = [0, 0], sizes = [2048, 4], strides = [1, 1]} : vector<2048x12xf32> to vector<2048x4xf32>
    %slice3A_87 = vector.extract_strided_slice %mul3A_85 {offsets = [0, 8], sizes = [2048, 4], strides = [1, 1]} : vector<2048x12xf32> to vector<2048x4xf32>
    %add3A_88 = arith.addf %slice3A_86, %slice3A_87 : vector<2048x4xf32>
    %slice3A_89 = vector.extract_strided_slice %mul3A_85 {offsets = [0, 4], sizes = [2048, 4], strides = [1, 1]} : vector<2048x12xf32> to vector<2048x4xf32>
    %concatenate3A_90 = tpu.concatenate %add3A_88, %slice3A_89 in 1 : vector<2048x4xf32>, vector<2048x4xf32> -> vector<2048x8xf32>
    %slice3A_91 = vector.extract_strided_slice %concatenate3A_90 {offsets = [0, 0], sizes = [2048, 4], strides = [1, 1]} : vector<2048x8xf32> to vector<2048x4xf32>
    %slice3A_92 = vector.extract_strided_slice %concatenate3A_90 {offsets = [0, 4], sizes = [2048, 4], strides = [1, 1]} : vector<2048x8xf32> to vector<2048x4xf32>
    %add3A_93 = arith.addf %slice3A_91, %slice3A_92 : vector<2048x4xf32>
    %slice3A_94 = vector.extract_strided_slice %add3A_93 {offsets = [0, 0], sizes = [2048, 2], strides = [1, 1]} : vector<2048x4xf32> to vector<2048x2xf32>
    %slice3A_95 = vector.extract_strided_slice %add3A_93 {offsets = [0, 2], sizes = [2048, 2], strides = [1, 1]} : vector<2048x4xf32> to vector<2048x2xf32>
    %add3A_96 = arith.addf %slice3A_94, %slice3A_95 : vector<2048x2xf32>
    %slice3A_97 = vector.extract_strided_slice %add3A_96 {offsets = [0, 0], sizes = [2048, 1], strides = [1, 1]} : vector<2048x2xf32> to vector<2048x1xf32>
    %slice3A_98 = vector.extract_strided_slice %add3A_96 {offsets = [0, 1], sizes = [2048, 1], strides = [1, 1]} : vector<2048x2xf32> to vector<2048x1xf32>
    %add3A_99 = arith.addf %slice3A_97, %slice3A_98 : vector<2048x1xf32>
    %broadcast_in_dim3A = arith.constant 0x7F800000 : f32
    %broadcast_in_dim3A_100 = vector.broadcast %broadcast_in_dim3A : f32 to vector<2048xf32>
    %broadcast_in_dim3A_101 = arith.constant 0 : i32
    %broadcast_in_dim3A_102 = vector.broadcast %broadcast_in_dim3A_101 : i32 to vector<2048xi32>
    %iota3A = tpu.iota {dimensions = array<i32: 1>} : vector<2048x1024xi32>
    %get3A_103 = arith.constant 0 : index
    %get3A_104 = arith.constant 0 : index
    %get3A_105 = vector.load %arg6[%get3A_103, %get3A_104] : memref<12x8192xf32, #tpu.memory_space<vmem>>, vector<12x1024xf32>
    %dot_general3A_106 = arith.constant dense<0.000000e+00> : vector<2048x1024xf32>
    %dot_general3A_107 = tpu.matmul %div3A_47, %get3A_105, %dot_general3A_106 {dimension_numbers = #tpu.dot_dimension_numbers<[1], [0], [0], [1], [0, 0, 1, 1], [], []>, transpose_lhs_hint = false} : vector<2048x12xf32>, vector<12x1024xf32>, vector<2048x1024xf32> -> vector<2048x1024xf32>
    %get3A_108 = arith.constant 0 : index
    %get3A_109 = arith.constant 0 : index
    %get3A_110 = vector.load %arg7[%get3A_108, %get3A_109] : memref<1x8192xf32, #tpu.memory_space<vmem>>, vector<1x1024xf32>
    %add3A_111 = vector.broadcast %add3A_99 : vector<2048x1xf32> to vector<2048x1024xf32>
    %add3A_112 = vector.broadcast %get3A_110 : vector<1x1024xf32> to vector<2048x1024xf32>
    %add3A_113 = arith.addf %add3A_111, %add3A_112 : vector<2048x1024xf32>
    %sub3A = arith.subf %add3A_113, %dot_general3A_107 : vector<2048x1024xf32>
    %reduce_min3A = arith.constant dense<0x7F800000> : vector<2048xf32>
    %reduce_min3A_114 = vector.multi_reduction <minimumf>, %sub3A, %reduce_min3A [1] : vector<2048x1024xf32> to vector<2048xf32>
    %broadcast_in_dim3A_115 = vector.shape_cast %reduce_min3A_114 : vector<2048xf32> to vector<2048x1xf32>
    %eq3A = vector.broadcast %broadcast_in_dim3A_115 : vector<2048x1xf32> to vector<2048x1024xf32>
    %eq3A_116 = arith.cmpf oeq, %sub3A, %eq3A : vector<2048x1024xf32>
    %jit3A = arith.constant 1073741824 : i32
    %broadcast_in_dim3A_117 = vector.broadcast %jit3A : i32 to vector<2048x1024xi32>
    %select_n3A = arith.select %eq3A_116, %iota3A, %broadcast_in_dim3A_117 : vector<2048x1024xi1>, vector<2048x1024xi32>
    %reduce_min3A_118 = arith.constant dense<2147483647> : vector<2048xi32>
    %reduce_min3A_119 = vector.multi_reduction <minsi>, %select_n3A, %reduce_min3A_118 [1] : vector<2048x1024xi32> to vector<2048xi32>
    %add3A_120 = arith.constant 0 : i32
    %add3A_121 = vector.broadcast %add3A_120 : i32 to vector<2048xi32>
    %add3A_122 = arith.addi %reduce_min3A_119, %add3A_121 : vector<2048xi32>
    %lt3A = arith.cmpf olt, %reduce_min3A_114, %broadcast_in_dim3A_100 : vector<2048xf32>
    %select_n3A_123 = arith.select %lt3A, %reduce_min3A_114, %broadcast_in_dim3A_100 : vector<2048xi1>, vector<2048xf32>
    %select_n3A_124 = arith.select %lt3A, %add3A_122, %broadcast_in_dim3A_102 : vector<2048xi1>, vector<2048xi32>
    %get3A_125 = arith.constant 0 : index
    %get3A_126 = arith.constant 1024 : index
    %get3A_127 = vector.load %arg6[%get3A_125, %get3A_126] : memref<12x8192xf32, #tpu.memory_space<vmem>>, vector<12x1024xf32>
    %dot_general3A_128 = arith.constant dense<0.000000e+00> : vector<2048x1024xf32>
    %dot_general3A_129 = tpu.matmul %div3A_47, %get3A_127, %dot_general3A_128 {dimension_numbers = #tpu.dot_dimension_numbers<[1], [0], [0], [1], [0, 0, 1, 1], [], []>, transpose_lhs_hint = false} : vector<2048x12xf32>, vector<12x1024xf32>, vector<2048x1024xf32> -> vector<2048x1024xf32>
    %get3A_130 = arith.constant 0 : index
    %get3A_131 = arith.constant 1024 : index
    %get3A_132 = vector.load %arg7[%get3A_130, %get3A_131] : memref<1x8192xf32, #tpu.memory_space<vmem>>, vector<1x1024xf32>
    %add3A_133 = vector.broadcast %add3A_99 : vector<2048x1xf32> to vector<2048x1024xf32>
    %add3A_134 = vector.broadcast %get3A_132 : vector<1x1024xf32> to vector<2048x1024xf32>
    %add3A_135 = arith.addf %add3A_133, %add3A_134 : vector<2048x1024xf32>
    %sub3A_136 = arith.subf %add3A_135, %dot_general3A_129 : vector<2048x1024xf32>
    %reduce_min3A_137 = arith.constant dense<0x7F800000> : vector<2048xf32>
    %reduce_min3A_138 = vector.multi_reduction <minimumf>, %sub3A_136, %reduce_min3A_137 [1] : vector<2048x1024xf32> to vector<2048xf32>
    %broadcast_in_dim3A_139 = vector.shape_cast %reduce_min3A_138 : vector<2048xf32> to vector<2048x1xf32>
    %eq3A_140 = vector.broadcast %broadcast_in_dim3A_139 : vector<2048x1xf32> to vector<2048x1024xf32>
    %eq3A_141 = arith.cmpf oeq, %sub3A_136, %eq3A_140 : vector<2048x1024xf32>
    %jit3A_142 = arith.constant 1073741824 : i32
    %broadcast_in_dim3A_143 = vector.broadcast %jit3A_142 : i32 to vector<2048x1024xi32>
    %select_n3A_144 = arith.select %eq3A_141, %iota3A, %broadcast_in_dim3A_143 : vector<2048x1024xi1>, vector<2048x1024xi32>
    %reduce_min3A_145 = arith.constant dense<2147483647> : vector<2048xi32>
    %reduce_min3A_146 = vector.multi_reduction <minsi>, %select_n3A_144, %reduce_min3A_145 [1] : vector<2048x1024xi32> to vector<2048xi32>
    %add3A_147 = arith.constant 1024 : i32
    %add3A_148 = vector.broadcast %add3A_147 : i32 to vector<2048xi32>
    %add3A_149 = arith.addi %reduce_min3A_146, %add3A_148 : vector<2048xi32>
    %lt3A_150 = arith.cmpf olt, %reduce_min3A_138, %select_n3A_123 : vector<2048xf32>
    %select_n3A_151 = arith.select %lt3A_150, %reduce_min3A_138, %select_n3A_123 : vector<2048xi1>, vector<2048xf32>
    %select_n3A_152 = arith.select %lt3A_150, %add3A_149, %select_n3A_124 : vector<2048xi1>, vector<2048xi32>
    %get3A_153 = arith.constant 0 : index
    %get3A_154 = arith.constant 2048 : index
    %get3A_155 = vector.load %arg6[%get3A_153, %get3A_154] : memref<12x8192xf32, #tpu.memory_space<vmem>>, vector<12x1024xf32>
    %dot_general3A_156 = arith.constant dense<0.000000e+00> : vector<2048x1024xf32>
    %dot_general3A_157 = tpu.matmul %div3A_47, %get3A_155, %dot_general3A_156 {dimension_numbers = #tpu.dot_dimension_numbers<[1], [0], [0], [1], [0, 0, 1, 1], [], []>, transpose_lhs_hint = false} : vector<2048x12xf32>, vector<12x1024xf32>, vector<2048x1024xf32> -> vector<2048x1024xf32>
    %get3A_158 = arith.constant 0 : index
    %get3A_159 = arith.constant 2048 : index
    %get3A_160 = vector.load %arg7[%get3A_158, %get3A_159] : memref<1x8192xf32, #tpu.memory_space<vmem>>, vector<1x1024xf32>
    %add3A_161 = vector.broadcast %add3A_99 : vector<2048x1xf32> to vector<2048x1024xf32>
    %add3A_162 = vector.broadcast %get3A_160 : vector<1x1024xf32> to vector<2048x1024xf32>
    %add3A_163 = arith.addf %add3A_161, %add3A_162 : vector<2048x1024xf32>
    %sub3A_164 = arith.subf %add3A_163, %dot_general3A_157 : vector<2048x1024xf32>
    %reduce_min3A_165 = arith.constant dense<0x7F800000> : vector<2048xf32>
    %reduce_min3A_166 = vector.multi_reduction <minimumf>, %sub3A_164, %reduce_min3A_165 [1] : vector<2048x1024xf32> to vector<2048xf32>
    %broadcast_in_dim3A_167 = vector.shape_cast %reduce_min3A_166 : vector<2048xf32> to vector<2048x1xf32>
    %eq3A_168 = vector.broadcast %broadcast_in_dim3A_167 : vector<2048x1xf32> to vector<2048x1024xf32>
    %eq3A_169 = arith.cmpf oeq, %sub3A_164, %eq3A_168 : vector<2048x1024xf32>
    %jit3A_170 = arith.constant 1073741824 : i32
    %broadcast_in_dim3A_171 = vector.broadcast %jit3A_170 : i32 to vector<2048x1024xi32>
    %select_n3A_172 = arith.select %eq3A_169, %iota3A, %broadcast_in_dim3A_171 : vector<2048x1024xi1>, vector<2048x1024xi32>
    %reduce_min3A_173 = arith.constant dense<2147483647> : vector<2048xi32>
    %reduce_min3A_174 = vector.multi_reduction <minsi>, %select_n3A_172, %reduce_min3A_173 [1] : vector<2048x1024xi32> to vector<2048xi32>
    %add3A_175 = arith.constant 2048 : i32
    %add3A_176 = vector.broadcast %add3A_175 : i32 to vector<2048xi32>
    %add3A_177 = arith.addi %reduce_min3A_174, %add3A_176 : vector<2048xi32>
    %lt3A_178 = arith.cmpf olt, %reduce_min3A_166, %select_n3A_151 : vector<2048xf32>
    %select_n3A_179 = arith.select %lt3A_178, %reduce_min3A_166, %select_n3A_151 : vector<2048xi1>, vector<2048xf32>
    %select_n3A_180 = arith.select %lt3A_178, %add3A_177, %select_n3A_152 : vector<2048xi1>, vector<2048xi32>
    %get3A_181 = arith.constant 0 : index
    %get3A_182 = arith.constant 3072 : index
    %get3A_183 = vector.load %arg6[%get3A_181, %get3A_182] : memref<12x8192xf32, #tpu.memory_space<vmem>>, vector<12x1024xf32>
    %dot_general3A_184 = arith.constant dense<0.000000e+00> : vector<2048x1024xf32>
    %dot_general3A_185 = tpu.matmul %div3A_47, %get3A_183, %dot_general3A_184 {dimension_numbers = #tpu.dot_dimension_numbers<[1], [0], [0], [1], [0, 0, 1, 1], [], []>, transpose_lhs_hint = false} : vector<2048x12xf32>, vector<12x1024xf32>, vector<2048x1024xf32> -> vector<2048x1024xf32>
    %get3A_186 = arith.constant 0 : index
    %get3A_187 = arith.constant 3072 : index
    %get3A_188 = vector.load %arg7[%get3A_186, %get3A_187] : memref<1x8192xf32, #tpu.memory_space<vmem>>, vector<1x1024xf32>
    %add3A_189 = vector.broadcast %add3A_99 : vector<2048x1xf32> to vector<2048x1024xf32>
    %add3A_190 = vector.broadcast %get3A_188 : vector<1x1024xf32> to vector<2048x1024xf32>
    %add3A_191 = arith.addf %add3A_189, %add3A_190 : vector<2048x1024xf32>
    %sub3A_192 = arith.subf %add3A_191, %dot_general3A_185 : vector<2048x1024xf32>
    %reduce_min3A_193 = arith.constant dense<0x7F800000> : vector<2048xf32>
    %reduce_min3A_194 = vector.multi_reduction <minimumf>, %sub3A_192, %reduce_min3A_193 [1] : vector<2048x1024xf32> to vector<2048xf32>
    %broadcast_in_dim3A_195 = vector.shape_cast %reduce_min3A_194 : vector<2048xf32> to vector<2048x1xf32>
    %eq3A_196 = vector.broadcast %broadcast_in_dim3A_195 : vector<2048x1xf32> to vector<2048x1024xf32>
    %eq3A_197 = arith.cmpf oeq, %sub3A_192, %eq3A_196 : vector<2048x1024xf32>
    %jit3A_198 = arith.constant 1073741824 : i32
    %broadcast_in_dim3A_199 = vector.broadcast %jit3A_198 : i32 to vector<2048x1024xi32>
    %select_n3A_200 = arith.select %eq3A_197, %iota3A, %broadcast_in_dim3A_199 : vector<2048x1024xi1>, vector<2048x1024xi32>
    %reduce_min3A_201 = arith.constant dense<2147483647> : vector<2048xi32>
    %reduce_min3A_202 = vector.multi_reduction <minsi>, %select_n3A_200, %reduce_min3A_201 [1] : vector<2048x1024xi32> to vector<2048xi32>
    %add3A_203 = arith.constant 3072 : i32
    %add3A_204 = vector.broadcast %add3A_203 : i32 to vector<2048xi32>
    %add3A_205 = arith.addi %reduce_min3A_202, %add3A_204 : vector<2048xi32>
    %lt3A_206 = arith.cmpf olt, %reduce_min3A_194, %select_n3A_179 : vector<2048xf32>
    %select_n3A_207 = arith.select %lt3A_206, %reduce_min3A_194, %select_n3A_179 : vector<2048xi1>, vector<2048xf32>
    %select_n3A_208 = arith.select %lt3A_206, %add3A_205, %select_n3A_180 : vector<2048xi1>, vector<2048xi32>
    %get3A_209 = arith.constant 0 : index
    %get3A_210 = arith.constant 4096 : index
    %get3A_211 = vector.load %arg6[%get3A_209, %get3A_210] : memref<12x8192xf32, #tpu.memory_space<vmem>>, vector<12x1024xf32>
    %dot_general3A_212 = arith.constant dense<0.000000e+00> : vector<2048x1024xf32>
    %dot_general3A_213 = tpu.matmul %div3A_47, %get3A_211, %dot_general3A_212 {dimension_numbers = #tpu.dot_dimension_numbers<[1], [0], [0], [1], [0, 0, 1, 1], [], []>, transpose_lhs_hint = false} : vector<2048x12xf32>, vector<12x1024xf32>, vector<2048x1024xf32> -> vector<2048x1024xf32>
    %get3A_214 = arith.constant 0 : index
    %get3A_215 = arith.constant 4096 : index
    %get3A_216 = vector.load %arg7[%get3A_214, %get3A_215] : memref<1x8192xf32, #tpu.memory_space<vmem>>, vector<1x1024xf32>
    %add3A_217 = vector.broadcast %add3A_99 : vector<2048x1xf32> to vector<2048x1024xf32>
    %add3A_218 = vector.broadcast %get3A_216 : vector<1x1024xf32> to vector<2048x1024xf32>
    %add3A_219 = arith.addf %add3A_217, %add3A_218 : vector<2048x1024xf32>
    %sub3A_220 = arith.subf %add3A_219, %dot_general3A_213 : vector<2048x1024xf32>
    %reduce_min3A_221 = arith.constant dense<0x7F800000> : vector<2048xf32>
    %reduce_min3A_222 = vector.multi_reduction <minimumf>, %sub3A_220, %reduce_min3A_221 [1] : vector<2048x1024xf32> to vector<2048xf32>
    %broadcast_in_dim3A_223 = vector.shape_cast %reduce_min3A_222 : vector<2048xf32> to vector<2048x1xf32>
    %eq3A_224 = vector.broadcast %broadcast_in_dim3A_223 : vector<2048x1xf32> to vector<2048x1024xf32>
    %eq3A_225 = arith.cmpf oeq, %sub3A_220, %eq3A_224 : vector<2048x1024xf32>
    %jit3A_226 = arith.constant 1073741824 : i32
    %broadcast_in_dim3A_227 = vector.broadcast %jit3A_226 : i32 to vector<2048x1024xi32>
    %select_n3A_228 = arith.select %eq3A_225, %iota3A, %broadcast_in_dim3A_227 : vector<2048x1024xi1>, vector<2048x1024xi32>
    %reduce_min3A_229 = arith.constant dense<2147483647> : vector<2048xi32>
    %reduce_min3A_230 = vector.multi_reduction <minsi>, %select_n3A_228, %reduce_min3A_229 [1] : vector<2048x1024xi32> to vector<2048xi32>
    %add3A_231 = arith.constant 4096 : i32
    %add3A_232 = vector.broadcast %add3A_231 : i32 to vector<2048xi32>
    %add3A_233 = arith.addi %reduce_min3A_230, %add3A_232 : vector<2048xi32>
    %lt3A_234 = arith.cmpf olt, %reduce_min3A_222, %select_n3A_207 : vector<2048xf32>
    %select_n3A_235 = arith.select %lt3A_234, %reduce_min3A_222, %select_n3A_207 : vector<2048xi1>, vector<2048xf32>
    %select_n3A_236 = arith.select %lt3A_234, %add3A_233, %select_n3A_208 : vector<2048xi1>, vector<2048xi32>
    %get3A_237 = arith.constant 0 : index
    %get3A_238 = arith.constant 5120 : index
    %get3A_239 = vector.load %arg6[%get3A_237, %get3A_238] : memref<12x8192xf32, #tpu.memory_space<vmem>>, vector<12x1024xf32>
    %dot_general3A_240 = arith.constant dense<0.000000e+00> : vector<2048x1024xf32>
    %dot_general3A_241 = tpu.matmul %div3A_47, %get3A_239, %dot_general3A_240 {dimension_numbers = #tpu.dot_dimension_numbers<[1], [0], [0], [1], [0, 0, 1, 1], [], []>, transpose_lhs_hint = false} : vector<2048x12xf32>, vector<12x1024xf32>, vector<2048x1024xf32> -> vector<2048x1024xf32>
    %get3A_242 = arith.constant 0 : index
    %get3A_243 = arith.constant 5120 : index
    %get3A_244 = vector.load %arg7[%get3A_242, %get3A_243] : memref<1x8192xf32, #tpu.memory_space<vmem>>, vector<1x1024xf32>
    %add3A_245 = vector.broadcast %add3A_99 : vector<2048x1xf32> to vector<2048x1024xf32>
    %add3A_246 = vector.broadcast %get3A_244 : vector<1x1024xf32> to vector<2048x1024xf32>
    %add3A_247 = arith.addf %add3A_245, %add3A_246 : vector<2048x1024xf32>
    %sub3A_248 = arith.subf %add3A_247, %dot_general3A_241 : vector<2048x1024xf32>
    %reduce_min3A_249 = arith.constant dense<0x7F800000> : vector<2048xf32>
    %reduce_min3A_250 = vector.multi_reduction <minimumf>, %sub3A_248, %reduce_min3A_249 [1] : vector<2048x1024xf32> to vector<2048xf32>
    %broadcast_in_dim3A_251 = vector.shape_cast %reduce_min3A_250 : vector<2048xf32> to vector<2048x1xf32>
    %eq3A_252 = vector.broadcast %broadcast_in_dim3A_251 : vector<2048x1xf32> to vector<2048x1024xf32>
    %eq3A_253 = arith.cmpf oeq, %sub3A_248, %eq3A_252 : vector<2048x1024xf32>
    %jit3A_254 = arith.constant 1073741824 : i32
    %broadcast_in_dim3A_255 = vector.broadcast %jit3A_254 : i32 to vector<2048x1024xi32>
    %select_n3A_256 = arith.select %eq3A_253, %iota3A, %broadcast_in_dim3A_255 : vector<2048x1024xi1>, vector<2048x1024xi32>
    %reduce_min3A_257 = arith.constant dense<2147483647> : vector<2048xi32>
    %reduce_min3A_258 = vector.multi_reduction <minsi>, %select_n3A_256, %reduce_min3A_257 [1] : vector<2048x1024xi32> to vector<2048xi32>
    %add3A_259 = arith.constant 5120 : i32
    %add3A_260 = vector.broadcast %add3A_259 : i32 to vector<2048xi32>
    %add3A_261 = arith.addi %reduce_min3A_258, %add3A_260 : vector<2048xi32>
    %lt3A_262 = arith.cmpf olt, %reduce_min3A_250, %select_n3A_235 : vector<2048xf32>
    %select_n3A_263 = arith.select %lt3A_262, %reduce_min3A_250, %select_n3A_235 : vector<2048xi1>, vector<2048xf32>
    %select_n3A_264 = arith.select %lt3A_262, %add3A_261, %select_n3A_236 : vector<2048xi1>, vector<2048xi32>
    %get3A_265 = arith.constant 0 : index
    %get3A_266 = arith.constant 6144 : index
    %get3A_267 = vector.load %arg6[%get3A_265, %get3A_266] : memref<12x8192xf32, #tpu.memory_space<vmem>>, vector<12x1024xf32>
    %dot_general3A_268 = arith.constant dense<0.000000e+00> : vector<2048x1024xf32>
    %dot_general3A_269 = tpu.matmul %div3A_47, %get3A_267, %dot_general3A_268 {dimension_numbers = #tpu.dot_dimension_numbers<[1], [0], [0], [1], [0, 0, 1, 1], [], []>, transpose_lhs_hint = false} : vector<2048x12xf32>, vector<12x1024xf32>, vector<2048x1024xf32> -> vector<2048x1024xf32>
    %get3A_270 = arith.constant 0 : index
    %get3A_271 = arith.constant 6144 : index
    %get3A_272 = vector.load %arg7[%get3A_270, %get3A_271] : memref<1x8192xf32, #tpu.memory_space<vmem>>, vector<1x1024xf32>
    %add3A_273 = vector.broadcast %add3A_99 : vector<2048x1xf32> to vector<2048x1024xf32>
    %add3A_274 = vector.broadcast %get3A_272 : vector<1x1024xf32> to vector<2048x1024xf32>
    %add3A_275 = arith.addf %add3A_273, %add3A_274 : vector<2048x1024xf32>
    %sub3A_276 = arith.subf %add3A_275, %dot_general3A_269 : vector<2048x1024xf32>
    %reduce_min3A_277 = arith.constant dense<0x7F800000> : vector<2048xf32>
    %reduce_min3A_278 = vector.multi_reduction <minimumf>, %sub3A_276, %reduce_min3A_277 [1] : vector<2048x1024xf32> to vector<2048xf32>
    %broadcast_in_dim3A_279 = vector.shape_cast %reduce_min3A_278 : vector<2048xf32> to vector<2048x1xf32>
    %eq3A_280 = vector.broadcast %broadcast_in_dim3A_279 : vector<2048x1xf32> to vector<2048x1024xf32>
    %eq3A_281 = arith.cmpf oeq, %sub3A_276, %eq3A_280 : vector<2048x1024xf32>
    %jit3A_282 = arith.constant 1073741824 : i32
    %broadcast_in_dim3A_283 = vector.broadcast %jit3A_282 : i32 to vector<2048x1024xi32>
    %select_n3A_284 = arith.select %eq3A_281, %iota3A, %broadcast_in_dim3A_283 : vector<2048x1024xi1>, vector<2048x1024xi32>
    %reduce_min3A_285 = arith.constant dense<2147483647> : vector<2048xi32>
    %reduce_min3A_286 = vector.multi_reduction <minsi>, %select_n3A_284, %reduce_min3A_285 [1] : vector<2048x1024xi32> to vector<2048xi32>
    %add3A_287 = arith.constant 6144 : i32
    %add3A_288 = vector.broadcast %add3A_287 : i32 to vector<2048xi32>
    %add3A_289 = arith.addi %reduce_min3A_286, %add3A_288 : vector<2048xi32>
    %lt3A_290 = arith.cmpf olt, %reduce_min3A_278, %select_n3A_263 : vector<2048xf32>
    %select_n3A_291 = arith.select %lt3A_290, %reduce_min3A_278, %select_n3A_263 : vector<2048xi1>, vector<2048xf32>
    %select_n3A_292 = arith.select %lt3A_290, %add3A_289, %select_n3A_264 : vector<2048xi1>, vector<2048xi32>
    %get3A_293 = arith.constant 0 : index
    %get3A_294 = arith.constant 7168 : index
    %get3A_295 = vector.load %arg6[%get3A_293, %get3A_294] : memref<12x8192xf32, #tpu.memory_space<vmem>>, vector<12x1024xf32>
    %dot_general3A_296 = arith.constant dense<0.000000e+00> : vector<2048x1024xf32>
    %dot_general3A_297 = tpu.matmul %div3A_47, %get3A_295, %dot_general3A_296 {dimension_numbers = #tpu.dot_dimension_numbers<[1], [0], [0], [1], [0, 0, 1, 1], [], []>, transpose_lhs_hint = false} : vector<2048x12xf32>, vector<12x1024xf32>, vector<2048x1024xf32> -> vector<2048x1024xf32>
    %get3A_298 = arith.constant 0 : index
    %get3A_299 = arith.constant 7168 : index
    %get3A_300 = vector.load %arg7[%get3A_298, %get3A_299] : memref<1x8192xf32, #tpu.memory_space<vmem>>, vector<1x1024xf32>
    %add3A_301 = vector.broadcast %add3A_99 : vector<2048x1xf32> to vector<2048x1024xf32>
    %add3A_302 = vector.broadcast %get3A_300 : vector<1x1024xf32> to vector<2048x1024xf32>
    %add3A_303 = arith.addf %add3A_301, %add3A_302 : vector<2048x1024xf32>
    %sub3A_304 = arith.subf %add3A_303, %dot_general3A_297 : vector<2048x1024xf32>
    %reduce_min3A_305 = arith.constant dense<0x7F800000> : vector<2048xf32>
    %reduce_min3A_306 = vector.multi_reduction <minimumf>, %sub3A_304, %reduce_min3A_305 [1] : vector<2048x1024xf32> to vector<2048xf32>
    %broadcast_in_dim3A_307 = vector.shape_cast %reduce_min3A_306 : vector<2048xf32> to vector<2048x1xf32>
    %eq3A_308 = vector.broadcast %broadcast_in_dim3A_307 : vector<2048x1xf32> to vector<2048x1024xf32>
    %eq3A_309 = arith.cmpf oeq, %sub3A_304, %eq3A_308 : vector<2048x1024xf32>
    %jit3A_310 = arith.constant 1073741824 : i32
    %broadcast_in_dim3A_311 = vector.broadcast %jit3A_310 : i32 to vector<2048x1024xi32>
    %select_n3A_312 = arith.select %eq3A_309, %iota3A, %broadcast_in_dim3A_311 : vector<2048x1024xi1>, vector<2048x1024xi32>
    %reduce_min3A_313 = arith.constant dense<2147483647> : vector<2048xi32>
    %reduce_min3A_314 = vector.multi_reduction <minsi>, %select_n3A_312, %reduce_min3A_313 [1] : vector<2048x1024xi32> to vector<2048xi32>
    %add3A_315 = arith.constant 7168 : i32
    %add3A_316 = vector.broadcast %add3A_315 : i32 to vector<2048xi32>
    %add3A_317 = arith.addi %reduce_min3A_314, %add3A_316 : vector<2048xi32>
    %lt3A_318 = arith.cmpf olt, %reduce_min3A_306, %select_n3A_291 : vector<2048xf32>
    %select_n3A_319 = arith.select %lt3A_318, %add3A_317, %select_n3A_292 : vector<2048xi1>, vector<2048xi32>
    %swap3A_320 = arith.constant 0 : index
    %swap3A_321 = vector.load %arg11[%swap3A_320] : memref<2048xi32, #tpu.memory_space<vmem>>, vector<2048xi32>
    tpu.vector_store %arg11[%swap3A_320], %select_n3A_319 {strides = array<i32>} : memref<2048xi32, #tpu.memory_space<vmem>>, vector<2048xi32>,
    return
  }
  func.func @transform_0(%arg0: i32) -> (i32, i32) {
    %c0_i32 = arith.constant 0 : i32
    %c0_i32_0 = arith.constant 0 : i32
    return %arg0, %c0_i32 : i32, i32
  }
  func.func @transform_1(%arg0: i32) -> (i32, i32) {
    %c0_i32 = arith.constant 0 : i32
    %c0_i32_0 = arith.constant 0 : i32
    %c0_i32_1 = arith.constant 0 : i32
    return %c0_i32, %c0_i32_0 : i32, i32
  }
  func.func @transform_2(%arg0: i32) -> (i32, i32) {
    %c0_i32 = arith.constant 0 : i32
    %c0_i32_0 = arith.constant 0 : i32
    %c0_i32_1 = arith.constant 0 : i32
    return %c0_i32, %c0_i32_0 : i32, i32
  }
  func.func @transform_3(%arg0: i32) -> (i32, i32) {
    %c0_i32 = arith.constant 0 : i32
    %c0_i32_0 = arith.constant 0 : i32
    %c0_i32_1 = arith.constant 0 : i32
    return %c0_i32, %c0_i32_0 : i32, i32
  }
  func.func @transform_4(%arg0: i32) -> (i32, i32) {
    %c0_i32 = arith.constant 0 : i32
    %c0_i32_0 = arith.constant 0 : i32
    %c0_i32_1 = arith.constant 0 : i32
    return %c0_i32, %c0_i32_0 : i32, i32
  }
  func.func @transform_5(%arg0: i32) -> (i32, i32) {
    %c0_i32 = arith.constant 0 : i32
    %c0_i32_0 = arith.constant 0 : i32
    %c0_i32_1 = arith.constant 0 : i32
    return %c0_i32, %c0_i32_0 : i32, i32
  }
  func.func @transform_6(%arg0: i32) -> (i32, i32) {
    %c0_i32 = arith.constant 0 : i32
    %c0_i32_0 = arith.constant 0 : i32
    %c0_i32_1 = arith.constant 0 : i32
    return %c0_i32, %c0_i32_0 : i32, i32
  }
  func.func @transform_7(%arg0: i32) -> (i32, i32) {
    %c0_i32 = arith.constant 0 : i32
    %c0_i32_0 = arith.constant 0 : i32
    return %arg0, %c0_i32 : i32, i32
  }
  func.func @transform_8(%arg0: i32) -> (i32, i32) {
    %c0_i32 = arith.constant 0 : i32
    %c0_i32_0 = arith.constant 0 : i32
    return %arg0, %c0_i32 : i32, i32
  }
  func.func @transform_9(%arg0: i32) -> (i32, i32) {
    %c0_i32 = arith.constant 0 : i32
    %c0_i32_0 = arith.constant 0 : i32
    return %arg0, %c0_i32 : i32, i32
  }
  func.func @transform_10(%arg0: i32) -> i32 {
    %c0_i32 = arith.constant 0 : i32
    return %arg0 : i32
  }
}

module attributes {stable_mosaic.version = 14 : i64} {
  func.func @_dec_body(%arg0: i32, %arg1: memref<128x256xf32, #tpu.memory_space<vmem>>, %arg2: memref<256x2048xf32, #tpu.memory_space<vmem>>, %arg3: memref<1x2048xf32, #tpu.memory_space<vmem>>, %arg4: memref<256x512xf32, #tpu.memory_space<vmem>>, %arg5: memref<1x4096xf32, #tpu.memory_space<vmem>>, %arg6: memref<512x128xf32, #tpu.memory_space<vmem>>, %arg7: memref<1x1xf32, #tpu.memory_space<vmem>>, %arg8: memref<128x1024xf32, #tpu.memory_space<vmem>>) attributes {dimension_semantics = [#tpu.dimension_semantics<arbitrary>], iteration_bounds = array<i64: 8>, scalar_prefetch = 0 : i64, scratch_operands = 0 : i64, tpu.core_type = #tpu.core_type<tc>, window_params = [{transform_indices = @transform_0, window_bounds = array<i64: 128, 256>}, {pipeline_mode = #tpu.pipeline_mode<synchronous>, transform_indices = @transform_1, window_bounds = array<i64: 256, 2048>}, {pipeline_mode = #tpu.pipeline_mode<synchronous>, transform_indices = @transform_2, window_bounds = array<i64: 1, 2048>}, {pipeline_mode = #tpu.pipeline_mode<synchronous>, transform_indices = @transform_3, window_bounds = array<i64: 256, 512>}, {pipeline_mode = #tpu.pipeline_mode<synchronous>, transform_indices = @transform_4, window_bounds = array<i64: 1, 4096>}, {pipeline_mode = #tpu.pipeline_mode<synchronous>, transform_indices = @transform_5, window_bounds = array<i64: 512, 128>}, {pipeline_mode = #tpu.pipeline_mode<synchronous>, transform_indices = @transform_6, window_bounds = array<i64: 1, 1>}, {transform_indices = @transform_7, window_bounds = array<i64: 128, 1024>}]} {
    %get3A = arith.constant 0 : index
    %get3A_0 = arith.constant 0 : index
    %get3A_1 = vector.load %arg1[%get3A, %get3A_0] : memref<128x256xf32, #tpu.memory_space<vmem>>, vector<128x256xf32>
    %get3A_2 = arith.constant 0 : index
    %get3A_3 = arith.constant 0 : index
    %get3A_4 = vector.load %arg2[%get3A_2, %get3A_3] : memref<256x2048xf32, #tpu.memory_space<vmem>>, vector<256x2048xf32>
    %dot_general3A = arith.constant dense<0.000000e+00> : vector<128x2048xf32>
    %dot_general3A_5 = tpu.matmul %get3A_1, %get3A_4, %dot_general3A {dimension_numbers = #tpu.dot_dimension_numbers<[1], [0], [0], [1], [0, 0, 1, 1], [], []>, transpose_lhs_hint = false} : vector<128x256xf32>, vector<256x2048xf32>, vector<128x2048xf32> -> vector<128x2048xf32>
    %get3A_6 = arith.constant 0 : index
    %get3A_7 = arith.constant 0 : index
    %get3A_8 = vector.load %arg3[%get3A_6, %get3A_7] : memref<1x2048xf32, #tpu.memory_space<vmem>>, vector<1x2048xf32>
    %add3A = vector.broadcast %get3A_8 : vector<1x2048xf32> to vector<128x2048xf32>
    %add3A_9 = arith.addf %dot_general3A_5, %add3A : vector<128x2048xf32>
    %max3A = arith.constant 0.000000e+00 : f32
    %max3A_10 = vector.broadcast %max3A : f32 to vector<128x2048xf32>
    %max3A_11 = arith.maximumf %add3A_9, %max3A_10 : vector<128x2048xf32>
    %slice3A = vector.extract_strided_slice %max3A_11 {offsets = [0, 0], sizes = [128, 256], strides = [1, 1]} : vector<128x2048xf32> to vector<128x256xf32>
    %get3A_12 = arith.constant 0 : index
    %get3A_13 = arith.constant 0 : index
    %get3A_14 = vector.load %arg4[%get3A_12, %get3A_13] : memref<256x512xf32, #tpu.memory_space<vmem>>, vector<256x512xf32>
    %dot_general3A_15 = arith.constant dense<0.000000e+00> : vector<128x512xf32>
    %dot_general3A_16 = tpu.matmul %slice3A, %get3A_14, %dot_general3A_15 {dimension_numbers = #tpu.dot_dimension_numbers<[1], [0], [0], [1], [0, 0, 1, 1], [], []>, transpose_lhs_hint = false} : vector<128x256xf32>, vector<256x512xf32>, vector<128x512xf32> -> vector<128x512xf32>
    %slice3A_17 = vector.extract_strided_slice %max3A_11 {offsets = [0, 256], sizes = [128, 256], strides = [1, 1]} : vector<128x2048xf32> to vector<128x256xf32>
    %get3A_18 = arith.constant 0 : index
    %get3A_19 = arith.constant 0 : index
    %get3A_20 = vector.load %arg4[%get3A_18, %get3A_19] : memref<256x512xf32, #tpu.memory_space<vmem>>, vector<256x512xf32>
    %dot_general3A_21 = arith.constant dense<0.000000e+00> : vector<128x512xf32>
    %dot_general3A_22 = tpu.matmul %slice3A_17, %get3A_20, %dot_general3A_21 {dimension_numbers = #tpu.dot_dimension_numbers<[1], [0], [0], [1], [0, 0, 1, 1], [], []>, transpose_lhs_hint = false} : vector<128x256xf32>, vector<256x512xf32>, vector<128x512xf32> -> vector<128x512xf32>
    %slice3A_23 = vector.extract_strided_slice %max3A_11 {offsets = [0, 512], sizes = [128, 256], strides = [1, 1]} : vector<128x2048xf32> to vector<128x256xf32>
    %get3A_24 = arith.constant 0 : index
    %get3A_25 = arith.constant 0 : index
    %get3A_26 = vector.load %arg4[%get3A_24, %get3A_25] : memref<256x512xf32, #tpu.memory_space<vmem>>, vector<256x512xf32>
    %dot_general3A_27 = arith.constant dense<0.000000e+00> : vector<128x512xf32>
    %dot_general3A_28 = tpu.matmul %slice3A_23, %get3A_26, %dot_general3A_27 {dimension_numbers = #tpu.dot_dimension_numbers<[1], [0], [0], [1], [0, 0, 1, 1], [], []>, transpose_lhs_hint = false} : vector<128x256xf32>, vector<256x512xf32>, vector<128x512xf32> -> vector<128x512xf32>
    %slice3A_29 = vector.extract_strided_slice %max3A_11 {offsets = [0, 768], sizes = [128, 256], strides = [1, 1]} : vector<128x2048xf32> to vector<128x256xf32>
    %get3A_30 = arith.constant 0 : index
    %get3A_31 = arith.constant 0 : index
    %get3A_32 = vector.load %arg4[%get3A_30, %get3A_31] : memref<256x512xf32, #tpu.memory_space<vmem>>, vector<256x512xf32>
    %dot_general3A_33 = arith.constant dense<0.000000e+00> : vector<128x512xf32>
    %dot_general3A_34 = tpu.matmul %slice3A_29, %get3A_32, %dot_general3A_33 {dimension_numbers = #tpu.dot_dimension_numbers<[1], [0], [0], [1], [0, 0, 1, 1], [], []>, transpose_lhs_hint = false} : vector<128x256xf32>, vector<256x512xf32>, vector<128x512xf32> -> vector<128x512xf32>
    %slice3A_35 = vector.extract_strided_slice %max3A_11 {offsets = [0, 1024], sizes = [128, 256], strides = [1, 1]} : vector<128x2048xf32> to vector<128x256xf32>
    %get3A_36 = arith.constant 0 : index
    %get3A_37 = arith.constant 0 : index
    %get3A_38 = vector.load %arg4[%get3A_36, %get3A_37] : memref<256x512xf32, #tpu.memory_space<vmem>>, vector<256x512xf32>
    %dot_general3A_39 = arith.constant dense<0.000000e+00> : vector<128x512xf32>
    %dot_general3A_40 = tpu.matmul %slice3A_35, %get3A_38, %dot_general3A_39 {dimension_numbers = #tpu.dot_dimension_numbers<[1], [0], [0], [1], [0, 0, 1, 1], [], []>, transpose_lhs_hint = false} : vector<128x256xf32>, vector<256x512xf32>, vector<128x512xf32> -> vector<128x512xf32>
    %slice3A_41 = vector.extract_strided_slice %max3A_11 {offsets = [0, 1280], sizes = [128, 256], strides = [1, 1]} : vector<128x2048xf32> to vector<128x256xf32>
    %get3A_42 = arith.constant 0 : index
    %get3A_43 = arith.constant 0 : index
    %get3A_44 = vector.load %arg4[%get3A_42, %get3A_43] : memref<256x512xf32, #tpu.memory_space<vmem>>, vector<256x512xf32>
    %dot_general3A_45 = arith.constant dense<0.000000e+00> : vector<128x512xf32>
    %dot_general3A_46 = tpu.matmul %slice3A_41, %get3A_44, %dot_general3A_45 {dimension_numbers = #tpu.dot_dimension_numbers<[1], [0], [0], [1], [0, 0, 1, 1], [], []>, transpose_lhs_hint = false} : vector<128x256xf32>, vector<256x512xf32>, vector<128x512xf32> -> vector<128x512xf32>
    %slice3A_47 = vector.extract_strided_slice %max3A_11 {offsets = [0, 1536], sizes = [128, 256], strides = [1, 1]} : vector<128x2048xf32> to vector<128x256xf32>
    %get3A_48 = arith.constant 0 : index
    %get3A_49 = arith.constant 0 : index
    %get3A_50 = vector.load %arg4[%get3A_48, %get3A_49] : memref<256x512xf32, #tpu.memory_space<vmem>>, vector<256x512xf32>
    %dot_general3A_51 = arith.constant dense<0.000000e+00> : vector<128x512xf32>
    %dot_general3A_52 = tpu.matmul %slice3A_47, %get3A_50, %dot_general3A_51 {dimension_numbers = #tpu.dot_dimension_numbers<[1], [0], [0], [1], [0, 0, 1, 1], [], []>, transpose_lhs_hint = false} : vector<128x256xf32>, vector<256x512xf32>, vector<128x512xf32> -> vector<128x512xf32>
    %slice3A_53 = vector.extract_strided_slice %max3A_11 {offsets = [0, 1792], sizes = [128, 256], strides = [1, 1]} : vector<128x2048xf32> to vector<128x256xf32>
    %get3A_54 = arith.constant 0 : index
    %get3A_55 = arith.constant 0 : index
    %get3A_56 = vector.load %arg4[%get3A_54, %get3A_55] : memref<256x512xf32, #tpu.memory_space<vmem>>, vector<256x512xf32>
    %dot_general3A_57 = arith.constant dense<0.000000e+00> : vector<128x512xf32>
    %dot_general3A_58 = tpu.matmul %slice3A_53, %get3A_56, %dot_general3A_57 {dimension_numbers = #tpu.dot_dimension_numbers<[1], [0], [0], [1], [0, 0, 1, 1], [], []>, transpose_lhs_hint = false} : vector<128x256xf32>, vector<256x512xf32>, vector<128x512xf32> -> vector<128x512xf32>
    %concatenate3A = tpu.concatenate %dot_general3A_16, %dot_general3A_22, %dot_general3A_28, %dot_general3A_34, %dot_general3A_40, %dot_general3A_46, %dot_general3A_52, %dot_general3A_58 in 1 : vector<128x512xf32>, vector<128x512xf32>, vector<128x512xf32>, vector<128x512xf32>, vector<128x512xf32>, vector<128x512xf32>, vector<128x512xf32>, vector<128x512xf32> -> vector<128x4096xf32>
    %get3A_59 = arith.constant 0 : index
    %get3A_60 = arith.constant 0 : index
    %get3A_61 = vector.load %arg5[%get3A_59, %get3A_60] : memref<1x4096xf32, #tpu.memory_space<vmem>>, vector<1x4096xf32>
    %add3A_62 = vector.broadcast %get3A_61 : vector<1x4096xf32> to vector<128x4096xf32>
    %add3A_63 = arith.addf %concatenate3A, %add3A_62 : vector<128x4096xf32>
    %max3A_64 = arith.constant 0.000000e+00 : f32
    %max3A_65 = vector.broadcast %max3A_64 : f32 to vector<128x4096xf32>
    %max3A_66 = arith.maximumf %add3A_63, %max3A_65 : vector<128x4096xf32>
    %slice3A_67 = vector.extract_strided_slice %max3A_66 {offsets = [0, 0], sizes = [128, 512], strides = [1, 1]} : vector<128x4096xf32> to vector<128x512xf32>
    %get3A_68 = arith.constant 0 : index
    %get3A_69 = arith.constant 0 : index
    %get3A_70 = vector.load %arg6[%get3A_68, %get3A_69] : memref<512x128xf32, #tpu.memory_space<vmem>>, vector<512x128xf32>
    %dot_general3A_71 = arith.constant dense<0.000000e+00> : vector<128x128xf32>
    %dot_general3A_72 = tpu.matmul %slice3A_67, %get3A_70, %dot_general3A_71 {dimension_numbers = #tpu.dot_dimension_numbers<[1], [0], [0], [1], [0, 0, 1, 1], [], []>, transpose_lhs_hint = false} : vector<128x512xf32>, vector<512x128xf32>, vector<128x128xf32> -> vector<128x128xf32>
    %slice3A_73 = vector.extract_strided_slice %max3A_66 {offsets = [0, 512], sizes = [128, 512], strides = [1, 1]} : vector<128x4096xf32> to vector<128x512xf32>
    %get3A_74 = arith.constant 0 : index
    %get3A_75 = arith.constant 0 : index
    %get3A_76 = vector.load %arg6[%get3A_74, %get3A_75] : memref<512x128xf32, #tpu.memory_space<vmem>>, vector<512x128xf32>
    %dot_general3A_77 = arith.constant dense<0.000000e+00> : vector<128x128xf32>
    %dot_general3A_78 = tpu.matmul %slice3A_73, %get3A_76, %dot_general3A_77 {dimension_numbers = #tpu.dot_dimension_numbers<[1], [0], [0], [1], [0, 0, 1, 1], [], []>, transpose_lhs_hint = false} : vector<128x512xf32>, vector<512x128xf32>, vector<128x128xf32> -> vector<128x128xf32>
    %slice3A_79 = vector.extract_strided_slice %max3A_66 {offsets = [0, 1024], sizes = [128, 512], strides = [1, 1]} : vector<128x4096xf32> to vector<128x512xf32>
    %get3A_80 = arith.constant 0 : index
    %get3A_81 = arith.constant 0 : index
    %get3A_82 = vector.load %arg6[%get3A_80, %get3A_81] : memref<512x128xf32, #tpu.memory_space<vmem>>, vector<512x128xf32>
    %dot_general3A_83 = arith.constant dense<0.000000e+00> : vector<128x128xf32>
    %dot_general3A_84 = tpu.matmul %slice3A_79, %get3A_82, %dot_general3A_83 {dimension_numbers = #tpu.dot_dimension_numbers<[1], [0], [0], [1], [0, 0, 1, 1], [], []>, transpose_lhs_hint = false} : vector<128x512xf32>, vector<512x128xf32>, vector<128x128xf32> -> vector<128x128xf32>
    %slice3A_85 = vector.extract_strided_slice %max3A_66 {offsets = [0, 1536], sizes = [128, 512], strides = [1, 1]} : vector<128x4096xf32> to vector<128x512xf32>
    %get3A_86 = arith.constant 0 : index
    %get3A_87 = arith.constant 0 : index
    %get3A_88 = vector.load %arg6[%get3A_86, %get3A_87] : memref<512x128xf32, #tpu.memory_space<vmem>>, vector<512x128xf32>
    %dot_general3A_89 = arith.constant dense<0.000000e+00> : vector<128x128xf32>
    %dot_general3A_90 = tpu.matmul %slice3A_85, %get3A_88, %dot_general3A_89 {dimension_numbers = #tpu.dot_dimension_numbers<[1], [0], [0], [1], [0, 0, 1, 1], [], []>, transpose_lhs_hint = false} : vector<128x512xf32>, vector<512x128xf32>, vector<128x128xf32> -> vector<128x128xf32>
    %slice3A_91 = vector.extract_strided_slice %max3A_66 {offsets = [0, 2048], sizes = [128, 512], strides = [1, 1]} : vector<128x4096xf32> to vector<128x512xf32>
    %get3A_92 = arith.constant 0 : index
    %get3A_93 = arith.constant 0 : index
    %get3A_94 = vector.load %arg6[%get3A_92, %get3A_93] : memref<512x128xf32, #tpu.memory_space<vmem>>, vector<512x128xf32>
    %dot_general3A_95 = arith.constant dense<0.000000e+00> : vector<128x128xf32>
    %dot_general3A_96 = tpu.matmul %slice3A_91, %get3A_94, %dot_general3A_95 {dimension_numbers = #tpu.dot_dimension_numbers<[1], [0], [0], [1], [0, 0, 1, 1], [], []>, transpose_lhs_hint = false} : vector<128x512xf32>, vector<512x128xf32>, vector<128x128xf32> -> vector<128x128xf32>
    %slice3A_97 = vector.extract_strided_slice %max3A_66 {offsets = [0, 2560], sizes = [128, 512], strides = [1, 1]} : vector<128x4096xf32> to vector<128x512xf32>
    %get3A_98 = arith.constant 0 : index
    %get3A_99 = arith.constant 0 : index
    %get3A_100 = vector.load %arg6[%get3A_98, %get3A_99] : memref<512x128xf32, #tpu.memory_space<vmem>>, vector<512x128xf32>
    %dot_general3A_101 = arith.constant dense<0.000000e+00> : vector<128x128xf32>
    %dot_general3A_102 = tpu.matmul %slice3A_97, %get3A_100, %dot_general3A_101 {dimension_numbers = #tpu.dot_dimension_numbers<[1], [0], [0], [1], [0, 0, 1, 1], [], []>, transpose_lhs_hint = false} : vector<128x512xf32>, vector<512x128xf32>, vector<128x128xf32> -> vector<128x128xf32>
    %slice3A_103 = vector.extract_strided_slice %max3A_66 {offsets = [0, 3072], sizes = [128, 512], strides = [1, 1]} : vector<128x4096xf32> to vector<128x512xf32>
    %get3A_104 = arith.constant 0 : index
    %get3A_105 = arith.constant 0 : index
    %get3A_106 = vector.load %arg6[%get3A_104, %get3A_105] : memref<512x128xf32, #tpu.memory_space<vmem>>, vector<512x128xf32>
    %dot_general3A_107 = arith.constant dense<0.000000e+00> : vector<128x128xf32>
    %dot_general3A_108 = tpu.matmul %slice3A_103, %get3A_106, %dot_general3A_107 {dimension_numbers = #tpu.dot_dimension_numbers<[1], [0], [0], [1], [0, 0, 1, 1], [], []>, transpose_lhs_hint = false} : vector<128x512xf32>, vector<512x128xf32>, vector<128x128xf32> -> vector<128x128xf32>
    %slice3A_109 = vector.extract_strided_slice %max3A_66 {offsets = [0, 3584], sizes = [128, 512], strides = [1, 1]} : vector<128x4096xf32> to vector<128x512xf32>
    %get3A_110 = arith.constant 0 : index
    %get3A_111 = arith.constant 0 : index
    %get3A_112 = vector.load %arg6[%get3A_110, %get3A_111] : memref<512x128xf32, #tpu.memory_space<vmem>>, vector<512x128xf32>
    %dot_general3A_113 = arith.constant dense<0.000000e+00> : vector<128x128xf32>
    %dot_general3A_114 = tpu.matmul %slice3A_109, %get3A_112, %dot_general3A_113 {dimension_numbers = #tpu.dot_dimension_numbers<[1], [0], [0], [1], [0, 0, 1, 1], [], []>, transpose_lhs_hint = false} : vector<128x512xf32>, vector<512x128xf32>, vector<128x128xf32> -> vector<128x128xf32>
    %concatenate3A_115 = tpu.concatenate %dot_general3A_72, %dot_general3A_78, %dot_general3A_84, %dot_general3A_90, %dot_general3A_96, %dot_general3A_102, %dot_general3A_108, %dot_general3A_114 in 1 : vector<128x128xf32>, vector<128x128xf32>, vector<128x128xf32>, vector<128x128xf32>, vector<128x128xf32>, vector<128x128xf32>, vector<128x128xf32>, vector<128x128xf32> -> vector<128x1024xf32>
    %get3A_116 = arith.constant 0 : index
    %get3A_117 = arith.constant 0 : index
    %get3A_118 = vector.load %arg7[%get3A_116, %get3A_117] : memref<1x1xf32, #tpu.memory_space<vmem>>, vector<1x1xf32>
    %add3A_119 = vector.broadcast %get3A_118 : vector<1x1xf32> to vector<128x1024xf32>
    %add3A_120 = arith.addf %concatenate3A_115, %add3A_119 : vector<128x1024xf32>
    %swap3A = arith.constant 0 : index
    %swap3A_121 = arith.constant 0 : index
    %swap3A_122 = vector.load %arg8[%swap3A, %swap3A_121] : memref<128x1024xf32, #tpu.memory_space<vmem>>, vector<128x1024xf32>
    tpu.vector_store %arg8[%swap3A, %swap3A_121], %add3A_120 {strides = array<i32>} : memref<128x1024xf32, #tpu.memory_space<vmem>>, vector<128x1024xf32>,
    return
  }
  func.func @transform_0(%arg0: i32) -> (i32, i32) {
    %c0_i32 = arith.constant 0 : i32
    %c0_i32_0 = arith.constant 0 : i32
    return %arg0, %c0_i32 : i32, i32
  }
  func.func @transform_1(%arg0: i32) -> (i32, i32) {
    %c0_i32 = arith.constant 0 : i32
    %c0_i32_0 = arith.constant 0 : i32
    %c0_i32_1 = arith.constant 0 : i32
    return %c0_i32, %c0_i32_0 : i32, i32
  }
  func.func @transform_2(%arg0: i32) -> (i32, i32) {
    %c0_i32 = arith.constant 0 : i32
    %c0_i32_0 = arith.constant 0 : i32
    %c0_i32_1 = arith.constant 0 : i32
    return %c0_i32, %c0_i32_0 : i32, i32
  }
  func.func @transform_3(%arg0: i32) -> (i32, i32) {
    %c0_i32 = arith.constant 0 : i32
    %c0_i32_0 = arith.constant 0 : i32
    %c0_i32_1 = arith.constant 0 : i32
    return %c0_i32, %c0_i32_0 : i32, i32
  }
  func.func @transform_4(%arg0: i32) -> (i32, i32) {
    %c0_i32 = arith.constant 0 : i32
    %c0_i32_0 = arith.constant 0 : i32
    %c0_i32_1 = arith.constant 0 : i32
    return %c0_i32, %c0_i32_0 : i32, i32
  }
  func.func @transform_5(%arg0: i32) -> (i32, i32) {
    %c0_i32 = arith.constant 0 : i32
    %c0_i32_0 = arith.constant 0 : i32
    %c0_i32_1 = arith.constant 0 : i32
    return %c0_i32, %c0_i32_0 : i32, i32
  }
  func.func @transform_6(%arg0: i32) -> (i32, i32) {
    %c0_i32 = arith.constant 0 : i32
    %c0_i32_0 = arith.constant 0 : i32
    %c0_i32_1 = arith.constant 0 : i32
    return %c0_i32, %c0_i32_0 : i32, i32
  }
  func.func @transform_7(%arg0: i32) -> (i32, i32) {
    %c0_i32 = arith.constant 0 : i32
    %c0_i32_0 = arith.constant 0 : i32
    return %arg0, %c0_i32 : i32, i32
  }
}

</mosaic_0001>

<sc_bundles>
// kernel: kernel.6.cloned.1.call-start
scs
__scs_entry_jumppad:
0x0: {  	(pc) =	sbr.rel $0x88, $3  }
0x1: {  	(tag) =	ssettag $0x0;
	lr =	simm.s32 $0x1  }
0x2: {  	[smem:$0x3F8F] =	sst lr;
	_ =	strace $0xD0000000  }
0x3: {  	_ = 	snop  }
0x4: {  	_ = 	snop  }
0x5: {  	_ = 	snop  }
0x6: {  	_ = 	snop  }
0x7: {  	_ = 	snop  }
__scs_overlays_trampoline_lowered:
0x8: {  	[smem:$0x3F9E] =	sst s0  }
0x9: {  	[smem:$0x3F9F] =	sst s1  }
0xa: {  	[smem:$0x3FA0] =	sst s2  }
0xb: {  	[smem:$0x3FA1] =	sst s3  }
0xc: {  	[smem:$0x3FA2] =	sst s4  }
0xd: {  	[smem:$0x3FA3] =	sst s5  }
0xe: {  	[smem:$0x3FA4] =	sst s6  }
0xf: {  	[smem:$0x3FA5] =	sst s7  }
0x10: {  	[smem:$0x3FA6] =	sst s8  }
0x11: {  	[smem:$0x3FA7] =	sst s9;
	s0 =	simm.s32 @!p0 $0x0  }
0x12: {  	s1 =	sld [smem:$0x3F8D];
	s0 =	simm.s32 @p0 $0x1  }
0x13: {  	[smem:$0x3FA8] =	sst s0;
	s0 =	simm.s32 @!p1 $0x0  }
0x14: {  	s2 =	sld [smem:$0x3F8C];
	s0 =	simm.s32 @p1 $0x1  }
0x15: {  	[smem:$0x3FA9] =	sst s0;
	s0 =	simm.s32 @!p2 $0x0  }
0x16: {  	s3 =	sld [smem:$0x3FDB];
	s0 =	simm.s32 @p2 $0x1  }
0x17: {  	s4 =	simm.s32 $0x1BF5;
	[smem:$0x3FAB] =	sst s0  }
0x18: {  	s0 =	sld [smem:$0x3F8E];
	_ =	swait.ge [sflag:s4], $0x0  }
0x19: {  	s7 =	sld [smem:$0x3F8F]  }
0x1a: {  	s8 =	sadd.s32 $0xFFFFE003, lr  }
0x1b: {  	s9 =	sadd.s32 $0xFFFFFEF7, lr;
	s5 =	simm.s32 $0xFFFFFFFF;
	p2 =	slt.u32 s8, $0xFFFFF086  }
0x1c: {  	p1 =	slt.u32 s9, $0xF7A;
	s5 =	simm.s32 @!p2 $0x0  }
0x1d: {  	s5 =	simm.s32 @p1 $0x1;
	p0 =	seq.s32 s7, s2  }
0x1e: {  	s7 =	smul.u32 @!p0 $0xF7A, s2;
	p2 =	seq.s32 @!p0 s5, $0x0  }
0x1f: {  	s9 =	smul.u32 $0xF7A, s1;
	s8 =	simm.s32 @!p0 $0x1BF5;
	p2 =	por !p2, p0  }
0x20: {  	[sflag:s8] =	ssyncset.s32 @!p0 $0xFFFFF086;
	s6 =	sadd.s32 @!p0 s3, s7;
	s7 =	simm.s32 @!p0 $0x108  }
0x21: {  	s3 =	sadd.s32 s3, s9;
	s6 =	sadd.s32 @!p0 $0x88, s6;
	s7 =	simm.s32 @p2 $0x1082  }
0x22: {  	[simem:s7], [sflag:s8] =	dma.local @!p0 [hbm:s6], $0xF7A  }
0x23: {  	s9 =	sor.u32 $0xD0000000, s2;
	s6 =	simm.s32 $0x108;
	_ =	swait.ge @!p0 [sflag:s8], $0x0  }
0x24: {  	s3 =	sadd.s32 $0x88, s3;
	s6 =	simm.s32 @!p1 $0x1082;
	[sflag:s4] =	ssyncset.s32 $0xFFFFF086  }
0x25: {  	[simem:s6], [sflag:s4] =	dma.local [hbm:s3], $0xF7A  }
0x26: {  	[smem:$0x3F8F] =	sst s1;
	(tag) =	ssettag s2;
	_ =	strace s9  }
0x27: {  	s1 =	sld [smem:$0x3F9F]  }
0x28: {  	s2 =	sld [smem:$0x3FA0]  }
0x29: {  	s4 =	sld [smem:$0x3FA2]  }
0x2a: {  	p0 =	seq.s32 s5, $0x0;
	s5 =	sld [smem:$0x3FA3]  }
0x2b: {  	s6 =	sld [smem:$0x3FA4]  }
0x2c: {  	s7 =	sld [smem:$0x3FA5]  }
0x2d: {  	s3 =	simm.s32 $0x108;
	s8 =	sld [smem:$0x3FA6]  }
0x2e: {  	s3 =	simm.s32 @!p0 $0x1082;
	s9 =	sld [smem:$0x3FA7]  }
0x2f: {  	lr =	sadd.s32 s0, s3;
	s0 =	sld [smem:$0x3F9E]  }
0x30: {  	s3 =	sld [smem:$0x3FA1]  }
0x31: {  	[smem:$0x3FAA] =	sst s10  }
0x32: {  	s10 =	sld [smem:$0x3FA8];
	_ =	sdelay $0x3  }
0x33: {  	p0 =	seq.s32 s10, $0x1;
	s10 =	sld [smem:$0x3FAA];
	_ =	sdelay $0x3  }
0x34: {  	[smem:$0x3FAA] =	sst s10  }
0x35: {  	s10 =	sld [smem:$0x3FA9];
	_ =	sdelay $0x3  }
0x36: {  	p1 =	seq.s32 s10, $0x1;
	s10 =	sld [smem:$0x3FAA];
	_ =	sdelay $0x3  }
0x37: {  	[smem:$0x3FAA] =	sst s10  }
0x38: {  	s10 =	sld [smem:$0x3FAB]  }
0x39: {  	_ = 	snop;
	(pc) =	sbr.ind lr, $3  }
0x3a: {  	_ = 	snop  }
0x3b: {  	_ = 	snop  }
0x3c: {  	p2 =	seq.s32 s10, $0x1;
	s10 =	sld [smem:$0x3FAA]  }
0x3d: {  	_ =	shalt  }
0x3e: {  	_ =	shalt  }
0x3f: {  	_ =	shalt  }
0x40: {  	_ =	shalt  }
0x41: {  	_ =	shalt  }
0x42: {  	_ =	shalt  }
0x43: {  	_ =	shalt  }
0x44: {  	_ =	shalt  }
0x45: {  	_ =	shalt  }
0x46: {  	_ =	shalt  }
0x47: {  	_ =	shalt  }
0x48: {  	_ =	shalt  }
0x49: {  	_ =	shalt  }
0x4a: {  	_ =	shalt  }
0x4b: {  	_ =	shalt  }
0x4c: {  	_ =	shalt  }
0x4d: {  	_ =	shalt  }
0x4e: {  	_ =	shalt  }
0x4f: {  	_ =	shalt  }
0x50: {  	_ =	shalt  }
0x51: {  	_ =	shalt  }
0x52: {  	_ =	shalt  }
0x53: {  	_ =	shalt  }
0x54: {  	_ =	shalt  }
0x55: {  	_ =	shalt  }
0x56: {  	_ =	shalt  }
0x57: {  	_ =	shalt  }
0x58: {  	_ =	shalt  }
0x59: {  	_ =	shalt  }
0x5a: {  	_ =	shalt  }
0x5b: {  	_ =	shalt  }
0x5c: {  	_ =	shalt  }
0x5d: {  	_ =	shalt  }
0x5e: {  	_ =	shalt  }
0x5f: {  	_ =	shalt  }
0x60: {  	_ =	shalt  }
0x61: {  	_ =	shalt  }
0x62: {  	_ =	shalt  }
0x63: {  	_ =	shalt  }
0x64: {  	_ =	shalt  }
0x65: {  	_ =	shalt  }
0x66: {  	_ =	shalt  }
0x67: {  	_ =	shalt  }
0x68: {  	_ =	shalt  }
0x69: {  	_ =	shalt  }
0x6a: {  	_ =	shalt  }
0x6b: {  	_ =	shalt  }
0x6c: {  	_ =	shalt  }
0x6d: {  	_ =	shalt  }
0x6e: {  	_ =	shalt  }
0x6f: {  	_ =	shalt  }
0x70: {  	_ =	shalt  }
0x71: {  	_ =	shalt  }
0x72: {  	_ =	shalt  }
0x73: {  	_ =	shalt  }
0x74: {  	_ =	shalt  }
0x75: {  	_ =	shalt  }
0x76: {  	_ =	shalt  }
0x77: {  	_ =	shalt  }
0x78: {  	_ =	shalt  }
0x79: {  	_ =	shalt  }
0x7a: {  	_ =	shalt  }
0x7b: {  	_ =	shalt  }
0x7c: {  	_ =	shalt  }
0x7d: {  	_ =	shalt  }
0x7e: {  	_ =	shalt  }
0x7f: {  	_ =	shalt  }
0x80: {  	_ =	shalt  }
0x81: {  	_ =	shalt  }
0x82: {  	_ =	shalt  }
0x83: {  	_ =	shalt  }
0x84: {  	_ =	shalt  }
0x85: {  	_ =	shalt  }
0x86: {  	_ =	shalt  }
0x87: {  	_ =	shalt  }
.Lfunc_end0:
.L_simem_size_0:
called_computation_lowered:
.L_overlay_start_0:
0x88: {  	s2 =	sld [smem:$0x3FD9]  }
0x89: {  	s3 =	sld [smem:$0x3FFE];
	_ =	sdelay $0x1  }
0x8a: {  	s1 =	srdreg.scid  }
0x8b: {  	s0 =	sand.u32 $0x1, s1  }
0x8c: {  	s14 =	sshll.u32 s0, $0xA;
	s2 =	sadd.s32 s3, s2  }
0x8d: {  	s2 =	sadd.s32 s2, s14  }
0x8e: {  	[smem:$0x3FB6] =	sst s2  }
0x8f: {  	_ = 	snop  }
0x90: {  	s2 =	sld [smem:$0x3FD0];
	_ =	sdelay $0x2  }
0x91: {  	s15 =	simm.s32 $0xA;
	s4 =	simm.s32 $0x10  }
0x92: {  	[smem:s4], [sflag:s15] =	dma.local [hbm:s2], $0x1  }
0x93: {  	_ =	swait.eq [sflag:s15], $0x1  }
0x94: {  	[sflag:s15] =	ssyncset.done $0x0  }
0x95: {  	s16 =	sld [smem:$0x10];
	[sflag:s15] =	ssyncadd.s32 $0xFFFFFFFF  }
0x96: {  	s17 =	sld [smem:$0x12];
	(tm) =	ssettm $0x1  }
0x97: {  	s18 =	sld [smem:$0x3FFB];
	_ =	sdelay $0x3  }
0x98: {  	_ =	strace s18  }
0x99: {  	s4 =	sld [smem:$0x3FFC];
	_ =	sdelay $0x3  }
0x9a: {  	_ =	strace s4  }
0x9b: {  	s4 =	sld [smem:$0x3FFD];
	_ =	sdelay $0x3  }
0x9c: {  	_ =	strace s4  }
0x9d: {  	_ =	strace $0x8FFFFFFF  }
0x9e: {  	s19 =	sld [smem:$0x3FDB];
	_ =	sdelay $0x1  }
0x9f: {  	s5 =	simm.s32 $_scs_section_size  }
0xa0: {  	s6 =	simm.s32 $_size__tile_overlayer_lowered;
	s7 =	simm.s32 $_tile_overlayer_lowered  }
0xa1: {  	s22 =	simm.s32 $0x1BFF;
	s21 =	sshll.u32 s7, $0x1;
	s4 =	sadd.s32 s5, s19  }
0xa2: {  	s8 =	simm.s32 $0x0;
	s20 =	sshll.u32 s6, $0x1;
	s6 =	sadd.s32 s21, s4  }
0xa3: {  	[timem:s8], [sflag:s22] =	dma.local [hbm:s6], s20  }
0xa4: {  	_ =	swait.ge [sflag:s22], s20  }
0xa5: {  	s5 =	ssub.s32 $0x0, s20;
	[sflag:s22] =	ssyncset.done $0x0  }
0xa6: {  	[sflag:s22] =	ssyncadd.s32 s5;
	_ =	sdelay $0x1  }
0xa7: {  	s23 =	simm.s32 $0x1B8B  }
0xa8: {  	_ =	swait.ge [sflag:s23], $0x1  }
0xa9: {  	[sflag:s23] =	ssyncset.done $0x0  }
0xaa: {  	s25 =	simm.s32 $0x1B8E;
	s24 =	sld [smem:$0x3FFE];
	[sflag:s23] =	ssyncadd.s32 $0xFFFFFFFF  }
0xab: {  	s26 =	simm.s32 $execute0_lowered;
	[smem:$0x3FD2] =	sst s25  }
0xac: {  	s6 =	sshll.u32 s26, $0x1;
	_ =	strace $0x80000046;
	[dreg:$0x1] =	wrdreg $0xFFFFFFFF  }
0xad: {  	s28 =	simm.s32 $_size_execute0_lowered;
	s4 =	sadd.s32 s4, s6;
	[dreg:$0x0] =	wrdreg $0x0  }
0xae: {  	s6 =	sshll.u32 s28, $0x1;
	[dreg:$0x2] =	wrdreg s4  }
0xaf: {  	[dreg:$0x3] =	wrdreg s6  }
0xb0: {  	[dreg:$0x4] =	wrdreg $0xC0  }
0xb1: {  	_ =	task [dreg:s8], $0x5FFFF  }
0xb2: {  	[dreg:$0x1] =	wrdreg $0xFFFFFFFF  }
0xb3: {  	[dreg:$0x0] =	wrdreg $0x60  }
0xb4: {  	[dreg:$0x2] =	wrdreg s17  }
0xb5: {  	[dreg:$0x3] =	wrdreg s24  }
0xb6: {  	[dreg:$0x4] =	wrdreg s16  }
0xb7: {  	[dreg:$0x5] =	wrdreg $0x9  }
0xb8: {  	_ =	task.clear_ibuf [dreg:s8], $0x6FFFF;
	_ =	strace $0x90000046  }
0xb9: {  	s29 =	simm.s32 $0x9;
	_ =	strace $0x80000048  }
0xba: {  	_ =	swait.ge [sflag:s29], $0x1  }
0xbb: {  	[sflag:s29] =	ssyncadd.s32 $0xFFFFFFFF  }
0xbc: {  	_ =	strace $0x90000048  }
0xbd: {  	_ =	sfence  }
0xbe: {  	s30 =	sld [smem:$0x0];
	_ =	sdelay $0x2  }
0xbf: {  	s31 =	sshll.u32 s1, $0xD;
	s1 =	sshrl.u32 s1, $0x2  }
0xc0: {  	s3 =	sand.u32 $0x4000, s31;
	s1 =	sadd.s32 s1, s30  }
0xc1: {  	s0 =	sor.u32 s3, s0;
	s1 =	sshll.u32 s1, $0x11  }
0xc2: {  	s0 =	sor.u32 s1, s0  }
0xc3: {  	s0 =	sadd.s32 $0x8F2B, s0  }
0xc4: {  	[sflag:s0] =	ssyncadd.remote.s32 $0x1  }
0xc5: {  	_ =	sfence.sel $0xFFFF  }
0xc6: {  	[dreg:$0x0] =	wrdreg $0xFFFFFFFF;
	(pc) =	sbr.abs _section_cstart, $3  }
0xc7: {  	[dreg:$0x1] =	wrdreg $0xFFFFFFFF  }
0xc8: {  	_ =	task.clear_ibuf [dreg:s8], $0x2FFFF;
	_ =	strace $0x9FFFFFFF  }
0xc9: {  	(tm) =	ssettm $0x7FFFFFFF  }
tec
execute0_lowered:
.L_overlay_start_1:
0x0: {  	(tag) =	ssettag $0x1  }
0x1: {  	s2 =	srdreg.scid  }
0x2: {  	s1 =	rddreg [dreg:$0x0];
	s0 =	stileid.u32;
	s6 =	sand.u32 $0x1, s2  }
0x3: {  	s4 =	rddreg [dreg:$0x1];
	s30 =	sshll.u32 s0, $0xA;
	s3 =	sshll.u32 s6, $0x9  }
0x4: {  	s8 =	rddreg [dreg:$0x2];
	s9 =	sor.u32 s3, s30  }
0x5: {  	s2 =	rddreg [dreg:$0x3];
	s3 =	simm.s32 $0x0;
	s5 =	sshrl.u32 s9, $0x3  }
0x6: {  	s10 =	ssub.s32 $0x2, s6;
	[smem:$0x7FF] =	sst s3;
	s4 =	sadd.s32 s5, s4  }
0x7: {  	_ =	strace $0x80000047;
	s5 =	sadd.s32 $0x3400, s4;
	s4 =	simm.s32 $0x2  }
0x8: {  	[tilespmem:s3], [sflag:$0x2] =	stream.linear.gather [hbm4b:s5+s3], $0x200, $0x38;
	[tilespmem:$0x2200] =	vst v63  }
0x9: {  	s11 =	sshrl.u32 s10, $0x1;
	_ =	swait.ge [sflag:s4], $0x200  }
0xa: {  	s7 =	simm.s32 $0x1;
	s10 =	ssub.s32 s10, s11;
	[sflag:s4] =	ssyncset.done $0x0  }
0xb: {  	s6 =	simm.s32 $0x200;
	s31 =	smax.u32 s10, $0x1;
	[sflag:s4] =	ssyncadd.s32 $0xFFFFFE00  }
0xc: {  	[tilespmem:s6], [sflag:$0x1] =	stream.indirect.gather [hbm4b:s1+s6], $0x10, s3, s6, $0xb8;
	[tilespmem:$0x2200] =	vst v63  }
0xd: {  	p0 =	sne.s32 s31, $0x1;
	_ =	swait.ge [sflag:s7], $0x2000  }
.Ltmp0:
0xe: {  	s9 =	sshll.u32 s9, $0x1;
	[sflag:s7] =	ssyncset.done $0x0;
	(pc) =	sbr.rel @!p0 .LBB2_2-.Ltmp0, $4  }
0xf: {  	s8 =	sadd.s32 s8, s9;
	[sflag:s7] =	ssyncadd.s32 $0xFFFFE000  }
0x10: {  	[hbm4b:s8+s3] =	stream.linear.scatter [tilespmem:s6], [sflag:$0x2], $0x2000, $0x38;
	[tilespmem:$0x2200] =	vst v63  }
0x11: {  	_ =	swait.ge [sflag:s4], $0x2000  }
0x12: {  	s9 =	sadd.s32 $0xFFFFFFFF, s31;
	[sflag:s4] =	ssyncset.done $0x0  }
.LBB2_1:
0x13: {  	p0 =	sne.s32 s9, $0x1;
	s9 =	sadd.s32 $0xFFFFFFFF, s9;
	[sflag:s4] =	ssyncadd.s32 $0xFFFFE000  }
0x14: {  	[tilespmem:s3], [sflag:$0x2] =	stream.linear.gather [hbm4b:s5+s3], $0x200, $0x38;
	[tilespmem:$0x2200] =	vst v63  }
0x15: {  	_ =	swait.ge [sflag:s4], $0x200  }
0x16: {  	[sflag:s4] =	ssyncset.done $0x0  }
0x17: {  	[sflag:s4] =	ssyncadd.s32 $0xFFFFFE00  }
0x18: {  	[tilespmem:s6], [sflag:$0x1] =	stream.indirect.gather [hbm4b:s1+s6], $0x10, s3, s6, $0xb8;
	[tilespmem:$0x2200] =	vst v63  }
0x19: {  	_ =	swait.ge [sflag:s7], $0x2000  }
.Ltmp1:
0x1a: {  	[sflag:s7] =	ssyncset.done $0x0;
	(pc) =	sbr.rel @p0 .LBB2_1-.Ltmp1, $4  }
0x1b: {  	[sflag:s7] =	ssyncadd.s32 $0xFFFFE000  }
0x1c: {  	[hbm4b:s8+s3] =	stream.linear.scatter [tilespmem:s6], [sflag:$0x2], $0x2000, $0x38;
	[tilespmem:$0x2200] =	vst v63  }
0x1d: {  	_ =	swait.ge [sflag:s4], $0x2000  }
0x1e: {  	[sflag:s4] =	ssyncset.done $0x0  }
.LBB2_2:
0x1f: {  	[sflag:s4] =	ssyncadd.s32 $0xFFFFE000  }
0x20: {  	_ =	sfence.sel $0x180000  }
0x21: {  	[bflag:$0x0] =	sbarrier.arrive $0xFFFF  }
0x22: {  	p0 =	sne.s32 s0, $0x0;
	_ =	strace $0x90000047  }
0x23: {  	s0 =	sadd.s32 @!p0 $0x100000, s2;
	[bflag:$0x2] =	sbarrier.arrive $0xFFFF  }
0x24: {  	[sflag:s0] =	ssyncadd.tile.s32 @!p0 $0x1;
	_ =	shalt  }
.Lfunc_end2:
_tile_overlayer_lowered:
.L_overlay_start_2:
0x25: {  	(tag) =	ssettag $0x2  }
0x26: {  	s0 =	rddreg [dreg:$0x0];
	s2 =	stileid.u32  }
0x27: {  	s1 =	rddreg [dreg:$0x1];
	p0 =	sne.s32 s2, $0x0  }
0x28: {  	s3 =	rddreg [dreg:$0x2];
	[bflag:$0x3] =	sbarrier.arrive $0xFFFF;
	s2 =	simm.s32 @!p0 $0x1C02  }
0x29: {  	[timem:s3], [sflag:s2] =	dma.local @!p0 [hbm:s0], s1  }
0x2a: {  	s0 =	simm.s32 @!p0 $0x2  }
0x2b: {  	_ =	swait.ge @!p0 [sflag:s0], s1  }
0x2c: {  	s1 =	ssub.s32 @!p0 $0x0, s1;
	[sflag:s0] =	ssyncset.done @!p0 $0x0  }
0x2d: {  	[sflag:s0] =	ssyncadd.s32 @!p0 s1  }
0x2e: {  	[bflag:$0x3] =	sbarrier.arrive $0xFFFF  }
0x2f: {  	_ =	shalt  }

</sc_bundles>
